<compile_context>
chip_gen: v7x
topology: tpu7x:2x2x1
jax: 0.10.2.dev20260603
libtpu: 0.0.44.dev20260713+nightly
codegen_flags: <defaults>
</compile_context>

<pallas_src>
import jax
import jax.numpy as jnp
from jax.experimental import pallas as pl
from jax.experimental.pallas import tpu as pltpu
from jax.experimental.pallas import tpu_sc as plsc

_TOP_K = 2
_LOAD_BALANCE_ALPHA = 0.01
_Z_LOSS_ALPHA = 0.0001
_SC_NC, _SC_NS, _SC_L = 2, 16, 16
_NW = _SC_NC * _SC_NS

_INTERPRET = False


def _tc_tile(x_ref, wt_ref, bias_ref, rtemp_ref, pk_ref, pp_ref, pz_ref):
    logits = jnp.dot(x_ref[...], wt_ref[...],
                     preferred_element_type=jnp.float32)
    lt = (logits.T + bias_ref[...]) * rtemp_ref[0, 0]
    c = jnp.max(lt)
    ex = jnp.exp(lt - c)
    se = jnp.sum(ex, axis=0, keepdims=True)
    num_e = ex.shape[0]
    eidx = jax.lax.broadcasted_iota(jnp.int32, ex.shape, 0)
    pk_ref[...] = (jax.lax.bitcast_convert_type(ex, jnp.int32) & ~63) \
        | ((num_e - 1) - eidx)
    lse = c + jnp.log(se)
    pp_ref[...] = jnp.sum(ex * (1.0 / se), axis=1, keepdims=True).T[None]
    pz_ref[...] = jnp.broadcast_to(jnp.sum(lse * lse), pz_ref.shape)


def _sc_route(pk_hbm, ts_hbm, ti_hbm, pk_v, ts_v, ti_v):
    wid = jax.lax.axis_index("s") * _SC_NC + jax.lax.axis_index("c")
    E, CH = pk_v.shape
    base = wid * CH
    pltpu.sync_copy(pk_hbm.at[:, pl.ds(base, CH)], pk_v)

    def group(g, carry):
        off = g * _SC_L
        r1 = pk_v[0, pl.ds(off, _SC_L)]
        r2 = jnp.zeros((_SC_L,), jnp.int32)
        for e in range(1, E):
            pe = pk_v[e, pl.ds(off, _SC_L)]
            lo = jnp.minimum(r1, pe)
            r1 = jnp.maximum(r1, pe)
            r2 = jnp.maximum(r2, lo)
        i1 = (E - 1) - (r1 & 63)
        i2 = (E - 1) - (r2 & 63)
        v1 = jax.lax.bitcast_convert_type(r1 & ~63, jnp.float32)
        v2 = jax.lax.bitcast_convert_type(r2 & ~63, jnp.float32)
        rden = 1.0 / (v1 + v2)
        ts_v[0, pl.ds(off, _SC_L)] = v1 * rden
        ts_v[1, pl.ds(off, _SC_L)] = v2 * rden
        ti_v[0, pl.ds(off, _SC_L)] = i1
        ti_v[1, pl.ds(off, _SC_L)] = i2
        return carry

    jax.lax.fori_loop(0, CH // _SC_L, group, 0)
    pltpu.sync_copy(ts_v, ts_hbm.at[:, pl.ds(base, CH)])
    pltpu.sync_copy(ti_v, ti_hbm.at[:, pl.ds(base, CH)])


def kernel(x, W, expert_bias, temperature):
    B, S, H = x.shape
    E = W.shape[0]
    T = B * S
    x_flat = x.reshape(T, H)
    rtemp = (1.0 / jnp.asarray(temperature, jnp.float32)).reshape(1, 1)
    wt = W.T
    bias = expert_bias.reshape(E, 1)
    TT = 4096
    G = T // TT
    pk, pp, pz = pl.pallas_call(
        _tc_tile,
        grid=(G,),
        in_specs=[
            pl.BlockSpec((TT, H), lambda i: (i, 0)),
            pl.BlockSpec((H, E), lambda i: (0, 0)),
            pl.BlockSpec((E, 1), lambda i: (0, 0)),
            pl.BlockSpec((1, 1), lambda i: (0, 0)),
        ],
        out_specs=[
            pl.BlockSpec((E, TT), lambda i: (0, i)),
            pl.BlockSpec((1, 1, E), lambda i: (i, 0, 0)),
            pl.BlockSpec((1, 1, E), lambda i: (i, 0, 0)),
        ],
        out_shape=[
            jax.ShapeDtypeStruct((E, T), jnp.int32),
            jax.ShapeDtypeStruct((G, 1, E), jnp.float32),
            jax.ShapeDtypeStruct((G, 1, E), jnp.float32),
        ],
        compiler_params=pltpu.CompilerParams(
            dimension_semantics=("parallel",)),
        interpret=_INTERPRET,
    )(x_flat, wt, bias, rtemp)

    CH = T // _NW
    ts, ti = pl.kernel(
        _sc_route,
        out_type=[
            jax.ShapeDtypeStruct((_TOP_K, T), jnp.float32),
            jax.ShapeDtypeStruct((_TOP_K, T), jnp.int32),
        ],
        mesh=plsc.VectorSubcoreMesh(
            core_axis_name="c", subcore_axis_name="s",
            num_cores=_SC_NC, num_subcores=_SC_NS),
        scratch_types=[
            pltpu.VMEM((E, CH), jnp.int32),
            pltpu.VMEM((_TOP_K, CH), jnp.float32),
            pltpu.VMEM((_TOP_K, CH), jnp.int32),
        ],
        interpret=_INTERPRET,
    )(pk)

    ts = ts.T
    ti = ti.T
    one_hot = (ti[:, :, None] == jnp.arange(E)[None, None, :])
    f = one_hot.sum(axis=(0, 1)).astype(jnp.float32) / T
    P = jnp.sum(pp[:, 0, :], axis=0) / T
    z = jnp.sum(pz[:, 0, 0]) / T
    aux = _LOAD_BALANCE_ALPHA * E * jnp.sum(f * P)
    total = aux + _Z_LOSS_ALPHA * z
    return ts, ti, total

# --- scband reference (transcript-rebuilt; emitter-appended) ---
"""Pipeline reference for scband-yv-mo-egate-83597243449508 (READ-ONLY COPY).

The authoritative reference and input builder live on the scoring server;
editing this copy changes nothing except your own understanding.
"""

import jax, jax.numpy as jnp
import numpy as np

B, S, H = 4, 8192, 768
E = 64
TOP_K = 2
LOAD_BALANCE_ALPHA = 0.01
Z_LOSS_ALPHA = 0.0001

def setup_inputs(seed: int = 0) -> dict:
    key = jax.random.key(seed)
    k1, k2 = jax.random.split(key)
    x = jax.random.normal(k1, (B, S, H), dtype=jnp.float32)
    W = jax.random.normal(k2, (E, H), dtype=jnp.float32) * (1.0 / np.sqrt(H))
    expert_bias = jnp.zeros((E,), dtype=jnp.float32)
    temperature = jnp.asarray(3.0, dtype=jnp.float32)
    return {"x": x, "W": W, "expert_bias": expert_bias, "temperature": temperature}

def reference(x, W, expert_bias, temperature):
    # Eval-mode routing path: no noise injection, no random-routing warmup.
    x_flat = x.reshape(-1, x.shape[-1])  # [T, H]
    logits = x_flat @ W.T + expert_bias[None, :]  # [T, E]
    logits_t = logits / temperature
    scores = jax.nn.softmax(logits_t, axis=-1)  # [T, E]
    top_scores, top_idx = jax.lax.top_k(scores, TOP_K)  # [T, k]
    top_scores = top_scores / jnp.sum(top_scores, axis=-1, keepdims=True)
    # Load balance (Switch-style) aux loss
    mask = jax.nn.one_hot(top_idx, E, dtype=jnp.float32).sum(axis=1)  # [T, E]
    f = mask.mean(axis=0)  # fraction of tokens dispatched per expert
    P = scores.mean(axis=0)  # mean routing prob per expert
    aux_loss = LOAD_BALANCE_ALPHA * E * jnp.sum(f * P)
    # Router z-loss for stability
    z_loss = Z_LOSS_ALPHA * jnp.mean(jnp.square(jax.nn.logsumexp(logits_t, axis=-1)))
    total_loss = aux_loss + z_loss
    return top_scores, top_idx, total_loss

if __name__ == "__main__":
    import jax
    _d = setup_inputs()
    print(jax.jit(kernel)(*tuple(_d.values())))

</pallas_src>

<mosaic_0001>
#map = affine_map<(d0, d1) -> (0, 0)>
module attributes {stable_mosaic.version = 14 : i64} {
  func.func @_sc_route(%arg0: i32, %arg1: i32, %arg2: memref<64x32768xi32, #tpu.memory_space<hbm>>, %arg3: memref<2x32768xf32, #tpu.memory_space<hbm>>, %arg4: memref<2x32768xi32, #tpu.memory_space<hbm>>, %arg5: memref<64x1024xi32, #tpu.memory_space<vmem>>, %arg6: memref<2x1024xf32, #tpu.memory_space<vmem>>, %arg7: memref<2x1024xi32, #tpu.memory_space<vmem>>) attributes {dimension_semantics = [#tpu.dimension_semantics<core_parallel>, #tpu.dimension_semantics<subcore_parallel>], iteration_bounds = array<i64: 2, 16>, scalar_prefetch = 0 : i64, scratch_operands = 3 : i64, tpu.core_type = #tpu.core_type<sc_vector_subcore>, window_params = [{transform_indices = #map}, {transform_indices = #map}, {transform_indices = #map}]} {
    %mul3A = arith.constant 2 : i32
    %mul3A_0 = arith.muli %arg1, %mul3A : i32
    %add3A = arith.addi %mul3A_0, %arg0 : i32
    %mul3A_1 = arith.constant 1024 : i32
    %mul3A_2 = arith.muli %add3A, %mul3A_1 : i32
    "tpu.region"() ({
      %run_scoped3A = tpu.sem_alloc : memref<!tpu.dma_semaphore, #tpu.memory_space<semaphore_mem>>
      %dma_start3A = arith.constant 0 : i32
      %dma_start3A_8 = tpu.memref_slice %arg2[%dma_start3A, %mul3A_2] : memref<64x32768xi32, #tpu.memory_space<hbm>> -> memref<64x1024xi32, #tpu.memory_space<hbm>>
      %dma_start3A_9 = arith.constant 0 : i32
      %dma_start3A_10 = tpu.memref_slice %arg2[%dma_start3A_9, %mul3A_2] : memref<64x32768xi32, #tpu.memory_space<hbm>> -> memref<64x1024xi32, #tpu.memory_space<hbm>>
      tpu.enqueue_dma source(%dma_start3A_10 : memref<64x1024xi32, #tpu.memory_space<hbm>>) target(%arg5 : memref<64x1024xi32, #tpu.memory_space<vmem>>) target_semaphore(%run_scoped3A : memref<!tpu.dma_semaphore, #tpu.memory_space<semaphore_mem>>)
      %dma_wait3A = arith.constant 0 : i32
      %dma_wait3A_11 = tpu.memref_slice %arg2[%dma_wait3A, %mul3A_2] : memref<64x32768xi32, #tpu.memory_space<hbm>> -> memref<64x1024xi32, #tpu.memory_space<hbm>>
      %dma_wait3A_12 = arith.constant 0 : i32
      %dma_wait3A_13 = tpu.memref_slice %arg2[%dma_wait3A_12, %mul3A_2] : memref<64x32768xi32, #tpu.memory_space<hbm>> -> memref<64x1024xi32, #tpu.memory_space<hbm>>
      tpu.wait_dma2 semaphore(%run_scoped3A : memref<!tpu.dma_semaphore, #tpu.memory_space<semaphore_mem>>) src(%dma_wait3A_13 : memref<64x1024xi32, #tpu.memory_space<hbm>>) dst(%arg5 : memref<64x1024xi32, #tpu.memory_space<vmem>>)
      tpu.yield
    }) : () -> ()
    %scan3A = arith.constant 0 : i32
    %scan3A_3 = arith.constant 0 : i32
    %scan3A_4 = arith.constant 64 : i32
    %scan3A_5 = arith.addi %scan3A_3, %scan3A_4 : i32
    %scan3A_6 = arith.constant 1 : i32
    scf.for %scan3A_8 = %scan3A_3 to %scan3A_5 step %scan3A_6  : i32 {
      %mul3A_9 = arith.constant 16 : i32
      %mul3A_10 = arith.muli %scan3A_8, %mul3A_9 : i32
      %get3A = arith.constant 0 : i32
      %get3A_11 = arith.index_cast %get3A : i32 to index
      %get3A_12 = arith.index_cast %mul3A_10 : i32 to index
      %get3A_13 = tpu.vector_load %arg5[%get3A_11, %get3A_12] {strides = array<i32>} : memref<64x1024xi32, #tpu.memory_space<vmem>>, vector<1x16xi32>,
      %get3A_14 = vector.shape_cast %get3A_13 : vector<1x16xi32> to vector<16xi32>
      %broadcast_in_dim3A = arith.constant 0 : i32
      %broadcast_in_dim3A_15 = vector.broadcast %broadcast_in_dim3A : i32 to vector<16xi32>
      %get3A_16 = arith.constant 1 : i32
      %get3A_17 = arith.index_cast %get3A_16 : i32 to index
      %get3A_18 = arith.index_cast %mul3A_10 : i32 to index
      %get3A_19 = tpu.vector_load %arg5[%get3A_17, %get3A_18] {strides = array<i32>} : memref<64x1024xi32, #tpu.memory_space<vmem>>, vector<1x16xi32>,
      %get3A_20 = vector.shape_cast %get3A_19 : vector<1x16xi32> to vector<16xi32>
      %min3A = arith.minsi %get3A_14, %get3A_20 : vector<16xi32>
      %max3A = arith.maxsi %get3A_14, %get3A_20 : vector<16xi32>
      %max3A_21 = arith.maxsi %broadcast_in_dim3A_15, %min3A : vector<16xi32>
      %get3A_22 = arith.constant 2 : i32
      %get3A_23 = arith.index_cast %get3A_22 : i32 to index
      %get3A_24 = arith.index_cast %mul3A_10 : i32 to index
      %get3A_25 = tpu.vector_load %arg5[%get3A_23, %get3A_24] {strides = array<i32>} : memref<64x1024xi32, #tpu.memory_space<vmem>>, vector<1x16xi32>,
      %get3A_26 = vector.shape_cast %get3A_25 : vector<1x16xi32> to vector<16xi32>
      %min3A_27 = arith.minsi %max3A, %get3A_26 : vector<16xi32>
      %max3A_28 = arith.maxsi %max3A, %get3A_26 : vector<16xi32>
      %max3A_29 = arith.maxsi %max3A_21, %min3A_27 : vector<16xi32>
      %get3A_30 = arith.constant 3 : i32
      %get3A_31 = arith.index_cast %get3A_30 : i32 to index
      %get3A_32 = arith.index_cast %mul3A_10 : i32 to index
      %get3A_33 = tpu.vector_load %arg5[%get3A_31, %get3A_32] {strides = array<i32>} : memref<64x1024xi32, #tpu.memory_space<vmem>>, vector<1x16xi32>,
      %get3A_34 = vector.shape_cast %get3A_33 : vector<1x16xi32> to vector<16xi32>
      %min3A_35 = arith.minsi %max3A_28, %get3A_34 : vector<16xi32>
      %max3A_36 = arith.maxsi %max3A_28, %get3A_34 : vector<16xi32>
      %max3A_37 = arith.maxsi %max3A_29, %min3A_35 : vector<16xi32>
      %get3A_38 = arith.constant 4 : i32
      %get3A_39 = arith.index_cast %get3A_38 : i32 to index
      %get3A_40 = arith.index_cast %mul3A_10 : i32 to index
      %get3A_41 = tpu.vector_load %arg5[%get3A_39, %get3A_40] {strides = array<i32>} : memref<64x1024xi32, #tpu.memory_space<vmem>>, vector<1x16xi32>,
      %get3A_42 = vector.shape_cast %get3A_41 : vector<1x16xi32> to vector<16xi32>
      %min3A_43 = arith.minsi %max3A_36, %get3A_42 : vector<16xi32>
      %max3A_44 = arith.maxsi %max3A_36, %get3A_42 : vector<16xi32>
      %max3A_45 = arith.maxsi %max3A_37, %min3A_43 : vector<16xi32>
      %get3A_46 = arith.constant 5 : i32
      %get3A_47 = arith.index_cast %get3A_46 : i32 to index
      %get3A_48 = arith.index_cast %mul3A_10 : i32 to index
      %get3A_49 = tpu.vector_load %arg5[%get3A_47, %get3A_48] {strides = array<i32>} : memref<64x1024xi32, #tpu.memory_space<vmem>>, vector<1x16xi32>,
      %get3A_50 = vector.shape_cast %get3A_49 : vector<1x16xi32> to vector<16xi32>
      %min3A_51 = arith.minsi %max3A_44, %get3A_50 : vector<16xi32>
      %max3A_52 = arith.maxsi %max3A_44, %get3A_50 : vector<16xi32>
      %max3A_53 = arith.maxsi %max3A_45, %min3A_51 : vector<16xi32>
      %get3A_54 = arith.constant 6 : i32
      %get3A_55 = arith.index_cast %get3A_54 : i32 to index
      %get3A_56 = arith.index_cast %mul3A_10 : i32 to index
      %get3A_57 = tpu.vector_load %arg5[%get3A_55, %get3A_56] {strides = array<i32>} : memref<64x1024xi32, #tpu.memory_space<vmem>>, vector<1x16xi32>,
      %get3A_58 = vector.shape_cast %get3A_57 : vector<1x16xi32> to vector<16xi32>
      %min3A_59 = arith.minsi %max3A_52, %get3A_58 : vector<16xi32>
      %max3A_60 = arith.maxsi %max3A_52, %get3A_58 : vector<16xi32>
      %max3A_61 = arith.maxsi %max3A_53, %min3A_59 : vector<16xi32>
      %get3A_62 = arith.constant 7 : i32
      %get3A_63 = arith.index_cast %get3A_62 : i32 to index
      %get3A_64 = arith.index_cast %mul3A_10 : i32 to index
      %get3A_65 = tpu.vector_load %arg5[%get3A_63, %get3A_64] {strides = array<i32>} : memref<64x1024xi32, #tpu.memory_space<vmem>>, vector<1x16xi32>,
      %get3A_66 = vector.shape_cast %get3A_65 : vector<1x16xi32> to vector<16xi32>
      %min3A_67 = arith.minsi %max3A_60, %get3A_66 : vector<16xi32>
      %max3A_68 = arith.maxsi %max3A_60, %get3A_66 : vector<16xi32>
      %max3A_69 = arith.maxsi %max3A_61, %min3A_67 : vector<16xi32>
      %get3A_70 = arith.constant 8 : i32
      %get3A_71 = arith.index_cast %get3A_70 : i32 to index
      %get3A_72 = arith.index_cast %mul3A_10 : i32 to index
      %get3A_73 = tpu.vector_load %arg5[%get3A_71, %get3A_72] {strides = array<i32>} : memref<64x1024xi32, #tpu.memory_space<vmem>>, vector<1x16xi32>,
      %get3A_74 = vector.shape_cast %get3A_73 : vector<1x16xi32> to vector<16xi32>
      %min3A_75 = arith.minsi %max3A_68, %get3A_74 : vector<16xi32>
      %max3A_76 = arith.maxsi %max3A_68, %get3A_74 : vector<16xi32>
      %max3A_77 = arith.maxsi %max3A_69, %min3A_75 : vector<16xi32>
      %get3A_78 = arith.constant 9 : i32
      %get3A_79 = arith.index_cast %get3A_78 : i32 to index
      %get3A_80 = arith.index_cast %mul3A_10 : i32 to index
      %get3A_81 = tpu.vector_load %arg5[%get3A_79, %get3A_80] {strides = array<i32>} : memref<64x1024xi32, #tpu.memory_space<vmem>>, vector<1x16xi32>,
      %get3A_82 = vector.shape_cast %get3A_81 : vector<1x16xi32> to vector<16xi32>
      %min3A_83 = arith.minsi %max3A_76, %get3A_82 : vector<16xi32>
      %max3A_84 = arith.maxsi %max3A_76, %get3A_82 : vector<16xi32>
      %max3A_85 = arith.maxsi %max3A_77, %min3A_83 : vector<16xi32>
      %get3A_86 = arith.constant 10 : i32
      %get3A_87 = arith.index_cast %get3A_86 : i32 to index
      %get3A_88 = arith.index_cast %mul3A_10 : i32 to index
      %get3A_89 = tpu.vector_load %arg5[%get3A_87, %get3A_88] {strides = array<i32>} : memref<64x1024xi32, #tpu.memory_space<vmem>>, vector<1x16xi32>,
      %get3A_90 = vector.shape_cast %get3A_89 : vector<1x16xi32> to vector<16xi32>
      %min3A_91 = arith.minsi %max3A_84, %get3A_90 : vector<16xi32>
      %max3A_92 = arith.maxsi %max3A_84, %get3A_90 : vector<16xi32>
      %max3A_93 = arith.maxsi %max3A_85, %min3A_91 : vector<16xi32>
      %get3A_94 = arith.constant 11 : i32
      %get3A_95 = arith.index_cast %get3A_94 : i32 to index
      %get3A_96 = arith.index_cast %mul3A_10 : i32 to index
      %get3A_97 = tpu.vector_load %arg5[%get3A_95, %get3A_96] {strides = array<i32>} : memref<64x1024xi32, #tpu.memory_space<vmem>>, vector<1x16xi32>,
      %get3A_98 = vector.shape_cast %get3A_97 : vector<1x16xi32> to vector<16xi32>
      %min3A_99 = arith.minsi %max3A_92, %get3A_98 : vector<16xi32>
      %max3A_100 = arith.maxsi %max3A_92, %get3A_98 : vector<16xi32>
      %max3A_101 = arith.maxsi %max3A_93, %min3A_99 : vector<16xi32>
      %get3A_102 = arith.constant 12 : i32
      %get3A_103 = arith.index_cast %get3A_102 : i32 to index
      %get3A_104 = arith.index_cast %mul3A_10 : i32 to index
      %get3A_105 = tpu.vector_load %arg5[%get3A_103, %get3A_104] {strides = array<i32>} : memref<64x1024xi32, #tpu.memory_space<vmem>>, vector<1x16xi32>,
      %get3A_106 = vector.shape_cast %get3A_105 : vector<1x16xi32> to vector<16xi32>
      %min3A_107 = arith.minsi %max3A_100, %get3A_106 : vector<16xi32>
      %max3A_108 = arith.maxsi %max3A_100, %get3A_106 : vector<16xi32>
      %max3A_109 = arith.maxsi %max3A_101, %min3A_107 : vector<16xi32>
      %get3A_110 = arith.constant 13 : i32
      %get3A_111 = arith.index_cast %get3A_110 : i32 to index
      %get3A_112 = arith.index_cast %mul3A_10 : i32 to index
      %get3A_113 = tpu.vector_load %arg5[%get3A_111, %get3A_112] {strides = array<i32>} : memref<64x1024xi32, #tpu.memory_space<vmem>>, vector<1x16xi32>,
      %get3A_114 = vector.shape_cast %get3A_113 : vector<1x16xi32> to vector<16xi32>
      %min3A_115 = arith.minsi %max3A_108, %get3A_114 : vector<16xi32>
      %max3A_116 = arith.maxsi %max3A_108, %get3A_114 : vector<16xi32>
      %max3A_117 = arith.maxsi %max3A_109, %min3A_115 : vector<16xi32>
      %get3A_118 = arith.constant 14 : i32
      %get3A_119 = arith.index_cast %get3A_118 : i32 to index
      %get3A_120 = arith.index_cast %mul3A_10 : i32 to index
      %get3A_121 = tpu.vector_load %arg5[%get3A_119, %get3A_120] {strides = array<i32>} : memref<64x1024xi32, #tpu.memory_space<vmem>>, vector<1x16xi32>,
      %get3A_122 = vector.shape_cast %get3A_121 : vector<1x16xi32> to vector<16xi32>
      %min3A_123 = arith.minsi %max3A_116, %get3A_122 : vector<16xi32>
      %max3A_124 = arith.maxsi %max3A_116, %get3A_122 : vector<16xi32>
      %max3A_125 = arith.maxsi %max3A_117, %min3A_123 : vector<16xi32>
      %get3A_126 = arith.constant 15 : i32
      %get3A_127 = arith.index_cast %get3A_126 : i32 to index
      %get3A_128 = arith.index_cast %mul3A_10 : i32 to index
      %get3A_129 = tpu.vector_load %arg5[%get3A_127, %get3A_128] {strides = array<i32>} : memref<64x1024xi32, #tpu.memory_space<vmem>>, vector<1x16xi32>,
      %get3A_130 = vector.shape_cast %get3A_129 : vector<1x16xi32> to vector<16xi32>
      %min3A_131 = arith.minsi %max3A_124, %get3A_130 : vector<16xi32>
      %max3A_132 = arith.maxsi %max3A_124, %get3A_130 : vector<16xi32>
      %max3A_133 = arith.maxsi %max3A_125, %min3A_131 : vector<16xi32>
      %get3A_134 = arith.constant 16 : i32
      %get3A_135 = arith.index_cast %get3A_134 : i32 to index
      %get3A_136 = arith.index_cast %mul3A_10 : i32 to index
      %get3A_137 = tpu.vector_load %arg5[%get3A_135, %get3A_136] {strides = array<i32>} : memref<64x1024xi32, #tpu.memory_space<vmem>>, vector<1x16xi32>,
      %get3A_138 = vector.shape_cast %get3A_137 : vector<1x16xi32> to vector<16xi32>
      %min3A_139 = arith.minsi %max3A_132, %get3A_138 : vector<16xi32>
      %max3A_140 = arith.maxsi %max3A_132, %get3A_138 : vector<16xi32>
      %max3A_141 = arith.maxsi %max3A_133, %min3A_139 : vector<16xi32>
      %get3A_142 = arith.constant 17 : i32
      %get3A_143 = arith.index_cast %get3A_142 : i32 to index
      %get3A_144 = arith.index_cast %mul3A_10 : i32 to index
      %get3A_145 = tpu.vector_load %arg5[%get3A_143, %get3A_144] {strides = array<i32>} : memref<64x1024xi32, #tpu.memory_space<vmem>>, vector<1x16xi32>,
      %get3A_146 = vector.shape_cast %get3A_145 : vector<1x16xi32> to vector<16xi32>
      %min3A_147 = arith.minsi %max3A_140, %get3A_146 : vector<16xi32>
      %max3A_148 = arith.maxsi %max3A_140, %get3A_146 : vector<16xi32>
      %max3A_149 = arith.maxsi %max3A_141, %min3A_147 : vector<16xi32>
      %get3A_150 = arith.constant 18 : i32
      %get3A_151 = arith.index_cast %get3A_150 : i32 to index
      %get3A_152 = arith.index_cast %mul3A_10 : i32 to index
      %get3A_153 = tpu.vector_load %arg5[%get3A_151, %get3A_152] {strides = array<i32>} : memref<64x1024xi32, #tpu.memory_space<vmem>>, vector<1x16xi32>,
      %get3A_154 = vector.shape_cast %get3A_153 : vector<1x16xi32> to vector<16xi32>
      %min3A_155 = arith.minsi %max3A_148, %get3A_154 : vector<16xi32>
      %max3A_156 = arith.maxsi %max3A_148, %get3A_154 : vector<16xi32>
      %max3A_157 = arith.maxsi %max3A_149, %min3A_155 : vector<16xi32>
      %get3A_158 = arith.constant 19 : i32
      %get3A_159 = arith.index_cast %get3A_158 : i32 to index
      %get3A_160 = arith.index_cast %mul3A_10 : i32 to index
      %get3A_161 = tpu.vector_load %arg5[%get3A_159, %get3A_160] {strides = array<i32>} : memref<64x1024xi32, #tpu.memory_space<vmem>>, vector<1x16xi32>,
      %get3A_162 = vector.shape_cast %get3A_161 : vector<1x16xi32> to vector<16xi32>
      %min3A_163 = arith.minsi %max3A_156, %get3A_162 : vector<16xi32>
      %max3A_164 = arith.maxsi %max3A_156, %get3A_162 : vector<16xi32>
      %max3A_165 = arith.maxsi %max3A_157, %min3A_163 : vector<16xi32>
      %get3A_166 = arith.constant 20 : i32
      %get3A_167 = arith.index_cast %get3A_166 : i32 to index
      %get3A_168 = arith.index_cast %mul3A_10 : i32 to index
      %get3A_169 = tpu.vector_load %arg5[%get3A_167, %get3A_168] {strides = array<i32>} : memref<64x1024xi32, #tpu.memory_space<vmem>>, vector<1x16xi32>,
      %get3A_170 = vector.shape_cast %get3A_169 : vector<1x16xi32> to vector<16xi32>
      %min3A_171 = arith.minsi %max3A_164, %get3A_170 : vector<16xi32>
      %max3A_172 = arith.maxsi %max3A_164, %get3A_170 : vector<16xi32>
      %max3A_173 = arith.maxsi %max3A_165, %min3A_171 : vector<16xi32>
      %get3A_174 = arith.constant 21 : i32
      %get3A_175 = arith.index_cast %get3A_174 : i32 to index
      %get3A_176 = arith.index_cast %mul3A_10 : i32 to index
      %get3A_177 = tpu.vector_load %arg5[%get3A_175, %get3A_176] {strides = array<i32>} : memref<64x1024xi32, #tpu.memory_space<vmem>>, vector<1x16xi32>,
      %get3A_178 = vector.shape_cast %get3A_177 : vector<1x16xi32> to vector<16xi32>
      %min3A_179 = arith.minsi %max3A_172, %get3A_178 : vector<16xi32>
      %max3A_180 = arith.maxsi %max3A_172, %get3A_178 : vector<16xi32>
      %max3A_181 = arith.maxsi %max3A_173, %min3A_179 : vector<16xi32>
      %get3A_182 = arith.constant 22 : i32
      %get3A_183 = arith.index_cast %get3A_182 : i32 to index
      %get3A_184 = arith.index_cast %mul3A_10 : i32 to index
      %get3A_185 = tpu.vector_load %arg5[%get3A_183, %get3A_184] {strides = array<i32>} : memref<64x1024xi32, #tpu.memory_space<vmem>>, vector<1x16xi32>,
      %get3A_186 = vector.shape_cast %get3A_185 : vector<1x16xi32> to vector<16xi32>
      %min3A_187 = arith.minsi %max3A_180, %get3A_186 : vector<16xi32>
      %max3A_188 = arith.maxsi %max3A_180, %get3A_186 : vector<16xi32>
      %max3A_189 = arith.maxsi %max3A_181, %min3A_187 : vector<16xi32>
      %get3A_190 = arith.constant 23 : i32
      %get3A_191 = arith.index_cast %get3A_190 : i32 to index
      %get3A_192 = arith.index_cast %mul3A_10 : i32 to index
      %get3A_193 = tpu.vector_load %arg5[%get3A_191, %get3A_192] {strides = array<i32>} : memref<64x1024xi32, #tpu.memory_space<vmem>>, vector<1x16xi32>,
      %get3A_194 = vector.shape_cast %get3A_193 : vector<1x16xi32> to vector<16xi32>
      %min3A_195 = arith.minsi %max3A_188, %get3A_194 : vector<16xi32>
      %max3A_196 = arith.maxsi %max3A_188, %get3A_194 : vector<16xi32>
      %max3A_197 = arith.maxsi %max3A_189, %min3A_195 : vector<16xi32>
      %get3A_198 = arith.constant 24 : i32
      %get3A_199 = arith.index_cast %get3A_198 : i32 to index
      %get3A_200 = arith.index_cast %mul3A_10 : i32 to index
      %get3A_201 = tpu.vector_load %arg5[%get3A_199, %get3A_200] {strides = array<i32>} : memref<64x1024xi32, #tpu.memory_space<vmem>>, vector<1x16xi32>,
      %get3A_202 = vector.shape_cast %get3A_201 : vector<1x16xi32> to vector<16xi32>
      %min3A_203 = arith.minsi %max3A_196, %get3A_202 : vector<16xi32>
      %max3A_204 = arith.maxsi %max3A_196, %get3A_202 : vector<16xi32>
      %max3A_205 = arith.maxsi %max3A_197, %min3A_203 : vector<16xi32>
      %get3A_206 = arith.constant 25 : i32
      %get3A_207 = arith.index_cast %get3A_206 : i32 to index
      %get3A_208 = arith.index_cast %mul3A_10 : i32 to index
      %get3A_209 = tpu.vector_load %arg5[%get3A_207, %get3A_208] {strides = array<i32>} : memref<64x1024xi32, #tpu.memory_space<vmem>>, vector<1x16xi32>,
      %get3A_210 = vector.shape_cast %get3A_209 : vector<1x16xi32> to vector<16xi32>
      %min3A_211 = arith.minsi %max3A_204, %get3A_210 : vector<16xi32>
      %max3A_212 = arith.maxsi %max3A_204, %get3A_210 : vector<16xi32>
      %max3A_213 = arith.maxsi %max3A_205, %min3A_211 : vector<16xi32>
      %get3A_214 = arith.constant 26 : i32
      %get3A_215 = arith.index_cast %get3A_214 : i32 to index
      %get3A_216 = arith.index_cast %mul3A_10 : i32 to index
      %get3A_217 = tpu.vector_load %arg5[%get3A_215, %get3A_216] {strides = array<i32>} : memref<64x1024xi32, #tpu.memory_space<vmem>>, vector<1x16xi32>,
      %get3A_218 = vector.shape_cast %get3A_217 : vector<1x16xi32> to vector<16xi32>
      %min3A_219 = arith.minsi %max3A_212, %get3A_218 : vector<16xi32>
      %max3A_220 = arith.maxsi %max3A_212, %get3A_218 : vector<16xi32>
      %max3A_221 = arith.maxsi %max3A_213, %min3A_219 : vector<16xi32>
      %get3A_222 = arith.constant 27 : i32
      %get3A_223 = arith.index_cast %get3A_222 : i32 to index
      %get3A_224 = arith.index_cast %mul3A_10 : i32 to index
      %get3A_225 = tpu.vector_load %arg5[%get3A_223, %get3A_224] {strides = array<i32>} : memref<64x1024xi32, #tpu.memory_space<vmem>>, vector<1x16xi32>,
      %get3A_226 = vector.shape_cast %get3A_225 : vector<1x16xi32> to vector<16xi32>
      %min3A_227 = arith.minsi %max3A_220, %get3A_226 : vector<16xi32>
      %max3A_228 = arith.maxsi %max3A_220, %get3A_226 : vector<16xi32>
      %max3A_229 = arith.maxsi %max3A_221, %min3A_227 : vector<16xi32>
      %get3A_230 = arith.constant 28 : i32
      %get3A_231 = arith.index_cast %get3A_230 : i32 to index
      %get3A_232 = arith.index_cast %mul3A_10 : i32 to index
      %get3A_233 = tpu.vector_load %arg5[%get3A_231, %get3A_232] {strides = array<i32>} : memref<64x1024xi32, #tpu.memory_space<vmem>>, vector<1x16xi32>,
      %get3A_234 = vector.shape_cast %get3A_233 : vector<1x16xi32> to vector<16xi32>
      %min3A_235 = arith.minsi %max3A_228, %get3A_234 : vector<16xi32>
      %max3A_236 = arith.maxsi %max3A_228, %get3A_234 : vector<16xi32>
      %max3A_237 = arith.maxsi %max3A_229, %min3A_235 : vector<16xi32>
      %get3A_238 = arith.constant 29 : i32
      %get3A_239 = arith.index_cast %get3A_238 : i32 to index
      %get3A_240 = arith.index_cast %mul3A_10 : i32 to index
      %get3A_241 = tpu.vector_load %arg5[%get3A_239, %get3A_240] {strides = array<i32>} : memref<64x1024xi32, #tpu.memory_space<vmem>>, vector<1x16xi32>,
      %get3A_242 = vector.shape_cast %get3A_241 : vector<1x16xi32> to vector<16xi32>
      %min3A_243 = arith.minsi %max3A_236, %get3A_242 : vector<16xi32>
      %max3A_244 = arith.maxsi %max3A_236, %get3A_242 : vector<16xi32>
      %max3A_245 = arith.maxsi %max3A_237, %min3A_243 : vector<16xi32>
      %get3A_246 = arith.constant 30 : i32
      %get3A_247 = arith.index_cast %get3A_246 : i32 to index
      %get3A_248 = arith.index_cast %mul3A_10 : i32 to index
      %get3A_249 = tpu.vector_load %arg5[%get3A_247, %get3A_248] {strides = array<i32>} : memref<64x1024xi32, #tpu.memory_space<vmem>>, vector<1x16xi32>,
      %get3A_250 = vector.shape_cast %get3A_249 : vector<1x16xi32> to vector<16xi32>
      %min3A_251 = arith.minsi %max3A_244, %get3A_250 : vector<16xi32>
      %max3A_252 = arith.maxsi %max3A_244, %get3A_250 : vector<16xi32>
      %max3A_253 = arith.maxsi %max3A_245, %min3A_251 : vector<16xi32>
      %get3A_254 = arith.constant 31 : i32
      %get3A_255 = arith.index_cast %get3A_254 : i32 to index
      %get3A_256 = arith.index_cast %mul3A_10 : i32 to index
      %get3A_257 = tpu.vector_load %arg5[%get3A_255, %get3A_256] {strides = array<i32>} : memref<64x1024xi32, #tpu.memory_space<vmem>>, vector<1x16xi32>,
      %get3A_258 = vector.shape_cast %get3A_257 : vector<1x16xi32> to vector<16xi32>
      %min3A_259 = arith.minsi %max3A_252, %get3A_258 : vector<16xi32>
      %max3A_260 = arith.maxsi %max3A_252, %get3A_258 : vector<16xi32>
      %max3A_261 = arith.maxsi %max3A_253, %min3A_259 : vector<16xi32>
      %get3A_262 = arith.constant 32 : i32
      %get3A_263 = arith.index_cast %get3A_262 : i32 to index
      %get3A_264 = arith.index_cast %mul3A_10 : i32 to index
      %get3A_265 = tpu.vector_load %arg5[%get3A_263, %get3A_264] {strides = array<i32>} : memref<64x1024xi32, #tpu.memory_space<vmem>>, vector<1x16xi32>,
      %get3A_266 = vector.shape_cast %get3A_265 : vector<1x16xi32> to vector<16xi32>
      %min3A_267 = arith.minsi %max3A_260, %get3A_266 : vector<16xi32>
      %max3A_268 = arith.maxsi %max3A_260, %get3A_266 : vector<16xi32>
      %max3A_269 = arith.maxsi %max3A_261, %min3A_267 : vector<16xi32>
      %get3A_270 = arith.constant 33 : i32
      %get3A_271 = arith.index_cast %get3A_270 : i32 to index
      %get3A_272 = arith.index_cast %mul3A_10 : i32 to index
      %get3A_273 = tpu.vector_load %arg5[%get3A_271, %get3A_272] {strides = array<i32>} : memref<64x1024xi32, #tpu.memory_space<vmem>>, vector<1x16xi32>,
      %get3A_274 = vector.shape_cast %get3A_273 : vector<1x16xi32> to vector<16xi32>
      %min3A_275 = arith.minsi %max3A_268, %get3A_274 : vector<16xi32>
      %max3A_276 = arith.maxsi %max3A_268, %get3A_274 : vector<16xi32>
      %max3A_277 = arith.maxsi %max3A_269, %min3A_275 : vector<16xi32>
      %get3A_278 = arith.constant 34 : i32
      %get3A_279 = arith.index_cast %get3A_278 : i32 to index
      %get3A_280 = arith.index_cast %mul3A_10 : i32 to index
      %get3A_281 = tpu.vector_load %arg5[%get3A_279, %get3A_280] {strides = array<i32>} : memref<64x1024xi32, #tpu.memory_space<vmem>>, vector<1x16xi32>,
      %get3A_282 = vector.shape_cast %get3A_281 : vector<1x16xi32> to vector<16xi32>
      %min3A_283 = arith.minsi %max3A_276, %get3A_282 : vector<16xi32>
      %max3A_284 = arith.maxsi %max3A_276, %get3A_282 : vector<16xi32>
      %max3A_285 = arith.maxsi %max3A_277, %min3A_283 : vector<16xi32>
      %get3A_286 = arith.constant 35 : i32
      %get3A_287 = arith.index_cast %get3A_286 : i32 to index
      %get3A_288 = arith.index_cast %mul3A_10 : i32 to index
      %get3A_289 = tpu.vector_load %arg5[%get3A_287, %get3A_288] {strides = array<i32>} : memref<64x1024xi32, #tpu.memory_space<vmem>>, vector<1x16xi32>,
      %get3A_290 = vector.shape_cast %get3A_289 : vector<1x16xi32> to vector<16xi32>
      %min3A_291 = arith.minsi %max3A_284, %get3A_290 : vector<16xi32>
      %max3A_292 = arith.maxsi %max3A_284, %get3A_290 : vector<16xi32>
      %max3A_293 = arith.maxsi %max3A_285, %min3A_291 : vector<16xi32>
      %get3A_294 = arith.constant 36 : i32
      %get3A_295 = arith.index_cast %get3A_294 : i32 to index
      %get3A_296 = arith.index_cast %mul3A_10 : i32 to index
      %get3A_297 = tpu.vector_load %arg5[%get3A_295, %get3A_296] {strides = array<i32>} : memref<64x1024xi32, #tpu.memory_space<vmem>>, vector<1x16xi32>,
      %get3A_298 = vector.shape_cast %get3A_297 : vector<1x16xi32> to vector<16xi32>
      %min3A_299 = arith.minsi %max3A_292, %get3A_298 : vector<16xi32>
      %max3A_300 = arith.maxsi %max3A_292, %get3A_298 : vector<16xi32>
      %max3A_301 = arith.maxsi %max3A_293, %min3A_299 : vector<16xi32>
      %get3A_302 = arith.constant 37 : i32
      %get3A_303 = arith.index_cast %get3A_302 : i32 to index
      %get3A_304 = arith.index_cast %mul3A_10 : i32 to index
      %get3A_305 = tpu.vector_load %arg5[%get3A_303, %get3A_304] {strides = array<i32>} : memref<64x1024xi32, #tpu.memory_space<vmem>>, vector<1x16xi32>,
      %get3A_306 = vector.shape_cast %get3A_305 : vector<1x16xi32> to vector<16xi32>
      %min3A_307 = arith.minsi %max3A_300, %get3A_306 : vector<16xi32>
      %max3A_308 = arith.maxsi %max3A_300, %get3A_306 : vector<16xi32>
      %max3A_309 = arith.maxsi %max3A_301, %min3A_307 : vector<16xi32>
      %get3A_310 = arith.constant 38 : i32
      %get3A_311 = arith.index_cast %get3A_310 : i32 to index
      %get3A_312 = arith.index_cast %mul3A_10 : i32 to index
      %get3A_313 = tpu.vector_load %arg5[%get3A_311, %get3A_312] {strides = array<i32>} : memref<64x1024xi32, #tpu.memory_space<vmem>>, vector<1x16xi32>,
      %get3A_314 = vector.shape_cast %get3A_313 : vector<1x16xi32> to vector<16xi32>
      %min3A_315 = arith.minsi %max3A_308, %get3A_314 : vector<16xi32>
      %max3A_316 = arith.maxsi %max3A_308, %get3A_314 : vector<16xi32>
      %max3A_317 = arith.maxsi %max3A_309, %min3A_315 : vector<16xi32>
      %get3A_318 = arith.constant 39 : i32
      %get3A_319 = arith.index_cast %get3A_318 : i32 to index
      %get3A_320 = arith.index_cast %mul3A_10 : i32 to index
      %get3A_321 = tpu.vector_load %arg5[%get3A_319, %get3A_320] {strides = array<i32>} : memref<64x1024xi32, #tpu.memory_space<vmem>>, vector<1x16xi32>,
      %get3A_322 = vector.shape_cast %get3A_321 : vector<1x16xi32> to vector<16xi32>
      %min3A_323 = arith.minsi %max3A_316, %get3A_322 : vector<16xi32>
      %max3A_324 = arith.maxsi %max3A_316, %get3A_322 : vector<16xi32>
      %max3A_325 = arith.maxsi %max3A_317, %min3A_323 : vector<16xi32>
      %get3A_326 = arith.constant 40 : i32
      %get3A_327 = arith.index_cast %get3A_326 : i32 to index
      %get3A_328 = arith.index_cast %mul3A_10 : i32 to index
      %get3A_329 = tpu.vector_load %arg5[%get3A_327, %get3A_328] {strides = array<i32>} : memref<64x1024xi32, #tpu.memory_space<vmem>>, vector<1x16xi32>,
      %get3A_330 = vector.shape_cast %get3A_329 : vector<1x16xi32> to vector<16xi32>
      %min3A_331 = arith.minsi %max3A_324, %get3A_330 : vector<16xi32>
      %max3A_332 = arith.maxsi %max3A_324, %get3A_330 : vector<16xi32>
      %max3A_333 = arith.maxsi %max3A_325, %min3A_331 : vector<16xi32>
      %get3A_334 = arith.constant 41 : i32
      %get3A_335 = arith.index_cast %get3A_334 : i32 to index
      %get3A_336 = arith.index_cast %mul3A_10 : i32 to index
      %get3A_337 = tpu.vector_load %arg5[%get3A_335, %get3A_336] {strides = array<i32>} : memref<64x1024xi32, #tpu.memory_space<vmem>>, vector<1x16xi32>,
      %get3A_338 = vector.shape_cast %get3A_337 : vector<1x16xi32> to vector<16xi32>
      %min3A_339 = arith.minsi %max3A_332, %get3A_338 : vector<16xi32>
      %max3A_340 = arith.maxsi %max3A_332, %get3A_338 : vector<16xi32>
      %max3A_341 = arith.maxsi %max3A_333, %min3A_339 : vector<16xi32>
      %get3A_342 = arith.constant 42 : i32
      %get3A_343 = arith.index_cast %get3A_342 : i32 to index
      %get3A_344 = arith.index_cast %mul3A_10 : i32 to index
      %get3A_345 = tpu.vector_load %arg5[%get3A_343, %get3A_344] {strides = array<i32>} : memref<64x1024xi32, #tpu.memory_space<vmem>>, vector<1x16xi32>,
      %get3A_346 = vector.shape_cast %get3A_345 : vector<1x16xi32> to vector<16xi32>
      %min3A_347 = arith.minsi %max3A_340, %get3A_346 : vector<16xi32>
      %max3A_348 = arith.maxsi %max3A_340, %get3A_346 : vector<16xi32>
      %max3A_349 = arith.maxsi %max3A_341, %min3A_347 : vector<16xi32>
      %get3A_350 = arith.constant 43 : i32
      %get3A_351 = arith.index_cast %get3A_350 : i32 to index
      %get3A_352 = arith.index_cast %mul3A_10 : i32 to index
      %get3A_353 = tpu.vector_load %arg5[%get3A_351, %get3A_352] {strides = array<i32>} : memref<64x1024xi32, #tpu.memory_space<vmem>>, vector<1x16xi32>,
      %get3A_354 = vector.shape_cast %get3A_353 : vector<1x16xi32> to vector<16xi32>
      %min3A_355 = arith.minsi %max3A_348, %get3A_354 : vector<16xi32>
      %max3A_356 = arith.maxsi %max3A_348, %get3A_354 : vector<16xi32>
      %max3A_357 = arith.maxsi %max3A_349, %min3A_355 : vector<16xi32>
      %get3A_358 = arith.constant 44 : i32
      %get3A_359 = arith.index_cast %get3A_358 : i32 to index
      %get3A_360 = arith.index_cast %mul3A_10 : i32 to index
      %get3A_361 = tpu.vector_load %arg5[%get3A_359, %get3A_360] {strides = array<i32>} : memref<64x1024xi32, #tpu.memory_space<vmem>>, vector<1x16xi32>,
      %get3A_362 = vector.shape_cast %get3A_361 : vector<1x16xi32> to vector<16xi32>
      %min3A_363 = arith.minsi %max3A_356, %get3A_362 : vector<16xi32>
      %max3A_364 = arith.maxsi %max3A_356, %get3A_362 : vector<16xi32>
      %max3A_365 = arith.maxsi %max3A_357, %min3A_363 : vector<16xi32>
      %get3A_366 = arith.constant 45 : i32
      %get3A_367 = arith.index_cast %get3A_366 : i32 to index
      %get3A_368 = arith.index_cast %mul3A_10 : i32 to index
      %get3A_369 = tpu.vector_load %arg5[%get3A_367, %get3A_368] {strides = array<i32>} : memref<64x1024xi32, #tpu.memory_space<vmem>>, vector<1x16xi32>,
      %get3A_370 = vector.shape_cast %get3A_369 : vector<1x16xi32> to vector<16xi32>
      %min3A_371 = arith.minsi %max3A_364, %get3A_370 : vector<16xi32>
      %max3A_372 = arith.maxsi %max3A_364, %get3A_370 : vector<16xi32>
      %max3A_373 = arith.maxsi %max3A_365, %min3A_371 : vector<16xi32>
      %get3A_374 = arith.constant 46 : i32
      %get3A_375 = arith.index_cast %get3A_374 : i32 to index
      %get3A_376 = arith.index_cast %mul3A_10 : i32 to index
      %get3A_377 = tpu.vector_load %arg5[%get3A_375, %get3A_376] {strides = array<i32>} : memref<64x1024xi32, #tpu.memory_space<vmem>>, vector<1x16xi32>,
      %get3A_378 = vector.shape_cast %get3A_377 : vector<1x16xi32> to vector<16xi32>
      %min3A_379 = arith.minsi %max3A_372, %get3A_378 : vector<16xi32>
      %max3A_380 = arith.maxsi %max3A_372, %get3A_378 : vector<16xi32>
      %max3A_381 = arith.maxsi %max3A_373, %min3A_379 : vector<16xi32>
      %get3A_382 = arith.constant 47 : i32
      %get3A_383 = arith.index_cast %get3A_382 : i32 to index
      %get3A_384 = arith.index_cast %mul3A_10 : i32 to index
      %get3A_385 = tpu.vector_load %arg5[%get3A_383, %get3A_384] {strides = array<i32>} : memref<64x1024xi32, #tpu.memory_space<vmem>>, vector<1x16xi32>,
      %get3A_386 = vector.shape_cast %get3A_385 : vector<1x16xi32> to vector<16xi32>
      %min3A_387 = arith.minsi %max3A_380, %get3A_386 : vector<16xi32>
      %max3A_388 = arith.maxsi %max3A_380, %get3A_386 : vector<16xi32>
      %max3A_389 = arith.maxsi %max3A_381, %min3A_387 : vector<16xi32>
      %get3A_390 = arith.constant 48 : i32
      %get3A_391 = arith.index_cast %get3A_390 : i32 to index
      %get3A_392 = arith.index_cast %mul3A_10 : i32 to index
      %get3A_393 = tpu.vector_load %arg5[%get3A_391, %get3A_392] {strides = array<i32>} : memref<64x1024xi32, #tpu.memory_space<vmem>>, vector<1x16xi32>,
      %get3A_394 = vector.shape_cast %get3A_393 : vector<1x16xi32> to vector<16xi32>
      %min3A_395 = arith.minsi %max3A_388, %get3A_394 : vector<16xi32>
      %max3A_396 = arith.maxsi %max3A_388, %get3A_394 : vector<16xi32>
      %max3A_397 = arith.maxsi %max3A_389, %min3A_395 : vector<16xi32>
      %get3A_398 = arith.constant 49 : i32
      %get3A_399 = arith.index_cast %get3A_398 : i32 to index
      %get3A_400 = arith.index_cast %mul3A_10 : i32 to index
      %get3A_401 = tpu.vector_load %arg5[%get3A_399, %get3A_400] {strides = array<i32>} : memref<64x1024xi32, #tpu.memory_space<vmem>>, vector<1x16xi32>,
      %get3A_402 = vector.shape_cast %get3A_401 : vector<1x16xi32> to vector<16xi32>
      %min3A_403 = arith.minsi %max3A_396, %get3A_402 : vector<16xi32>
      %max3A_404 = arith.maxsi %max3A_396, %get3A_402 : vector<16xi32>
      %max3A_405 = arith.maxsi %max3A_397, %min3A_403 : vector<16xi32>
      %get3A_406 = arith.constant 50 : i32
      %get3A_407 = arith.index_cast %get3A_406 : i32 to index
      %get3A_408 = arith.index_cast %mul3A_10 : i32 to index
      %get3A_409 = tpu.vector_load %arg5[%get3A_407, %get3A_408] {strides = array<i32>} : memref<64x1024xi32, #tpu.memory_space<vmem>>, vector<1x16xi32>,
      %get3A_410 = vector.shape_cast %get3A_409 : vector<1x16xi32> to vector<16xi32>
      %min3A_411 = arith.minsi %max3A_404, %get3A_410 : vector<16xi32>
      %max3A_412 = arith.maxsi %max3A_404, %get3A_410 : vector<16xi32>
      %max3A_413 = arith.maxsi %max3A_405, %min3A_411 : vector<16xi32>
      %get3A_414 = arith.constant 51 : i32
      %get3A_415 = arith.index_cast %get3A_414 : i32 to index
      %get3A_416 = arith.index_cast %mul3A_10 : i32 to index
      %get3A_417 = tpu.vector_load %arg5[%get3A_415, %get3A_416] {strides = array<i32>} : memref<64x1024xi32, #tpu.memory_space<vmem>>, vector<1x16xi32>,
      %get3A_418 = vector.shape_cast %get3A_417 : vector<1x16xi32> to vector<16xi32>
      %min3A_419 = arith.minsi %max3A_412, %get3A_418 : vector<16xi32>
      %max3A_420 = arith.maxsi %max3A_412, %get3A_418 : vector<16xi32>
      %max3A_421 = arith.maxsi %max3A_413, %min3A_419 : vector<16xi32>
      %get3A_422 = arith.constant 52 : i32
      %get3A_423 = arith.index_cast %get3A_422 : i32 to index
      %get3A_424 = arith.index_cast %mul3A_10 : i32 to index
      %get3A_425 = tpu.vector_load %arg5[%get3A_423, %get3A_424] {strides = array<i32>} : memref<64x1024xi32, #tpu.memory_space<vmem>>, vector<1x16xi32>,
      %get3A_426 = vector.shape_cast %get3A_425 : vector<1x16xi32> to vector<16xi32>
      %min3A_427 = arith.minsi %max3A_420, %get3A_426 : vector<16xi32>
      %max3A_428 = arith.maxsi %max3A_420, %get3A_426 : vector<16xi32>
      %max3A_429 = arith.maxsi %max3A_421, %min3A_427 : vector<16xi32>
      %get3A_430 = arith.constant 53 : i32
      %get3A_431 = arith.index_cast %get3A_430 : i32 to index
      %get3A_432 = arith.index_cast %mul3A_10 : i32 to index
      %get3A_433 = tpu.vector_load %arg5[%get3A_431, %get3A_432] {strides = array<i32>} : memref<64x1024xi32, #tpu.memory_space<vmem>>, vector<1x16xi32>,
      %get3A_434 = vector.shape_cast %get3A_433 : vector<1x16xi32> to vector<16xi32>
      %min3A_435 = arith.minsi %max3A_428, %get3A_434 : vector<16xi32>
      %max3A_436 = arith.maxsi %max3A_428, %get3A_434 : vector<16xi32>
      %max3A_437 = arith.maxsi %max3A_429, %min3A_435 : vector<16xi32>
      %get3A_438 = arith.constant 54 : i32
      %get3A_439 = arith.index_cast %get3A_438 : i32 to index
      %get3A_440 = arith.index_cast %mul3A_10 : i32 to index
      %get3A_441 = tpu.vector_load %arg5[%get3A_439, %get3A_440] {strides = array<i32>} : memref<64x1024xi32, #tpu.memory_space<vmem>>, vector<1x16xi32>,
      %get3A_442 = vector.shape_cast %get3A_441 : vector<1x16xi32> to vector<16xi32>
      %min3A_443 = arith.minsi %max3A_436, %get3A_442 : vector<16xi32>
      %max3A_444 = arith.maxsi %max3A_436, %get3A_442 : vector<16xi32>
      %max3A_445 = arith.maxsi %max3A_437, %min3A_443 : vector<16xi32>
      %get3A_446 = arith.constant 55 : i32
      %get3A_447 = arith.index_cast %get3A_446 : i32 to index
      %get3A_448 = arith.index_cast %mul3A_10 : i32 to index
      %get3A_449 = tpu.vector_load %arg5[%get3A_447, %get3A_448] {strides = array<i32>} : memref<64x1024xi32, #tpu.memory_space<vmem>>, vector<1x16xi32>,
      %get3A_450 = vector.shape_cast %get3A_449 : vector<1x16xi32> to vector<16xi32>
      %min3A_451 = arith.minsi %max3A_444, %get3A_450 : vector<16xi32>
      %max3A_452 = arith.maxsi %max3A_444, %get3A_450 : vector<16xi32>
      %max3A_453 = arith.maxsi %max3A_445, %min3A_451 : vector<16xi32>
      %get3A_454 = arith.constant 56 : i32
      %get3A_455 = arith.index_cast %get3A_454 : i32 to index
      %get3A_456 = arith.index_cast %mul3A_10 : i32 to index
      %get3A_457 = tpu.vector_load %arg5[%get3A_455, %get3A_456] {strides = array<i32>} : memref<64x1024xi32, #tpu.memory_space<vmem>>, vector<1x16xi32>,
      %get3A_458 = vector.shape_cast %get3A_457 : vector<1x16xi32> to vector<16xi32>
      %min3A_459 = arith.minsi %max3A_452, %get3A_458 : vector<16xi32>
      %max3A_460 = arith.maxsi %max3A_452, %get3A_458 : vector<16xi32>
      %max3A_461 = arith.maxsi %max3A_453, %min3A_459 : vector<16xi32>
      %get3A_462 = arith.constant 57 : i32
      %get3A_463 = arith.index_cast %get3A_462 : i32 to index
      %get3A_464 = arith.index_cast %mul3A_10 : i32 to index
      %get3A_465 = tpu.vector_load %arg5[%get3A_463, %get3A_464] {strides = array<i32>} : memref<64x1024xi32, #tpu.memory_space<vmem>>, vector<1x16xi32>,
      %get3A_466 = vector.shape_cast %get3A_465 : vector<1x16xi32> to vector<16xi32>
      %min3A_467 = arith.minsi %max3A_460, %get3A_466 : vector<16xi32>
      %max3A_468 = arith.maxsi %max3A_460, %get3A_466 : vector<16xi32>
      %max3A_469 = arith.maxsi %max3A_461, %min3A_467 : vector<16xi32>
      %get3A_470 = arith.constant 58 : i32
      %get3A_471 = arith.index_cast %get3A_470 : i32 to index
      %get3A_472 = arith.index_cast %mul3A_10 : i32 to index
      %get3A_473 = tpu.vector_load %arg5[%get3A_471, %get3A_472] {strides = array<i32>} : memref<64x1024xi32, #tpu.memory_space<vmem>>, vector<1x16xi32>,
      %get3A_474 = vector.shape_cast %get3A_473 : vector<1x16xi32> to vector<16xi32>
      %min3A_475 = arith.minsi %max3A_468, %get3A_474 : vector<16xi32>
      %max3A_476 = arith.maxsi %max3A_468, %get3A_474 : vector<16xi32>
      %max3A_477 = arith.maxsi %max3A_469, %min3A_475 : vector<16xi32>
      %get3A_478 = arith.constant 59 : i32
      %get3A_479 = arith.index_cast %get3A_478 : i32 to index
      %get3A_480 = arith.index_cast %mul3A_10 : i32 to index
      %get3A_481 = tpu.vector_load %arg5[%get3A_479, %get3A_480] {strides = array<i32>} : memref<64x1024xi32, #tpu.memory_space<vmem>>, vector<1x16xi32>,
      %get3A_482 = vector.shape_cast %get3A_481 : vector<1x16xi32> to vector<16xi32>
      %min3A_483 = arith.minsi %max3A_476, %get3A_482 : vector<16xi32>
      %max3A_484 = arith.maxsi %max3A_476, %get3A_482 : vector<16xi32>
      %max3A_485 = arith.maxsi %max3A_477, %min3A_483 : vector<16xi32>
      %get3A_486 = arith.constant 60 : i32
      %get3A_487 = arith.index_cast %get3A_486 : i32 to index
      %get3A_488 = arith.index_cast %mul3A_10 : i32 to index
      %get3A_489 = tpu.vector_load %arg5[%get3A_487, %get3A_488] {strides = array<i32>} : memref<64x1024xi32, #tpu.memory_space<vmem>>, vector<1x16xi32>,
      %get3A_490 = vector.shape_cast %get3A_489 : vector<1x16xi32> to vector<16xi32>
      %min3A_491 = arith.minsi %max3A_484, %get3A_490 : vector<16xi32>
      %max3A_492 = arith.maxsi %max3A_484, %get3A_490 : vector<16xi32>
      %max3A_493 = arith.maxsi %max3A_485, %min3A_491 : vector<16xi32>
      %get3A_494 = arith.constant 61 : i32
      %get3A_495 = arith.index_cast %get3A_494 : i32 to index
      %get3A_496 = arith.index_cast %mul3A_10 : i32 to index
      %get3A_497 = tpu.vector_load %arg5[%get3A_495, %get3A_496] {strides = array<i32>} : memref<64x1024xi32, #tpu.memory_space<vmem>>, vector<1x16xi32>,
      %get3A_498 = vector.shape_cast %get3A_497 : vector<1x16xi32> to vector<16xi32>
      %min3A_499 = arith.minsi %max3A_492, %get3A_498 : vector<16xi32>
      %max3A_500 = arith.maxsi %max3A_492, %get3A_498 : vector<16xi32>
      %max3A_501 = arith.maxsi %max3A_493, %min3A_499 : vector<16xi32>
      %get3A_502 = arith.constant 62 : i32
      %get3A_503 = arith.index_cast %get3A_502 : i32 to index
      %get3A_504 = arith.index_cast %mul3A_10 : i32 to index
      %get3A_505 = tpu.vector_load %arg5[%get3A_503, %get3A_504] {strides = array<i32>} : memref<64x1024xi32, #tpu.memory_space<vmem>>, vector<1x16xi32>,
      %get3A_506 = vector.shape_cast %get3A_505 : vector<1x16xi32> to vector<16xi32>
      %min3A_507 = arith.minsi %max3A_500, %get3A_506 : vector<16xi32>
      %max3A_508 = arith.maxsi %max3A_500, %get3A_506 : vector<16xi32>
      %max3A_509 = arith.maxsi %max3A_501, %min3A_507 : vector<16xi32>
      %get3A_510 = arith.constant 63 : i32
      %get3A_511 = arith.index_cast %get3A_510 : i32 to index
      %get3A_512 = arith.index_cast %mul3A_10 : i32 to index
      %get3A_513 = tpu.vector_load %arg5[%get3A_511, %get3A_512] {strides = array<i32>} : memref<64x1024xi32, #tpu.memory_space<vmem>>, vector<1x16xi32>,
      %get3A_514 = vector.shape_cast %get3A_513 : vector<1x16xi32> to vector<16xi32>
      %min3A_515 = arith.minsi %max3A_508, %get3A_514 : vector<16xi32>
      %max3A_516 = arith.maxsi %max3A_508, %get3A_514 : vector<16xi32>
      %max3A_517 = arith.maxsi %max3A_509, %min3A_515 : vector<16xi32>
      %and3A = arith.constant 63 : i32
      %and3A_518 = vector.broadcast %and3A : i32 to vector<16xi32>
      %and3A_519 = arith.andi %max3A_516, %and3A_518 : vector<16xi32>
      %sub3A = arith.constant 63 : i32
      %sub3A_520 = vector.broadcast %sub3A : i32 to vector<16xi32>
      %sub3A_521 = arith.subi %sub3A_520, %and3A_519 : vector<16xi32>
      %and3A_522 = arith.constant 63 : i32
      %and3A_523 = vector.broadcast %and3A_522 : i32 to vector<16xi32>
      %and3A_524 = arith.andi %max3A_517, %and3A_523 : vector<16xi32>
      %sub3A_525 = arith.constant 63 : i32
      %sub3A_526 = vector.broadcast %sub3A_525 : i32 to vector<16xi32>
      %sub3A_527 = arith.subi %sub3A_526, %and3A_524 : vector<16xi32>
      %and3A_528 = arith.constant -64 : i32
      %and3A_529 = vector.broadcast %and3A_528 : i32 to vector<16xi32>
      %and3A_530 = arith.andi %max3A_516, %and3A_529 : vector<16xi32>
      %bitcast_convert_type3A = tpu.bitcast %and3A_530 : vector<16xi32> -> vector<16xf32>
      %and3A_531 = arith.constant -64 : i32
      %and3A_532 = vector.broadcast %and3A_531 : i32 to vector<16xi32>
      %and3A_533 = arith.andi %max3A_517, %and3A_532 : vector<16xi32>
      %bitcast_convert_type3A_534 = tpu.bitcast %and3A_533 : vector<16xi32> -> vector<16xf32>
      %add3A_535 = arith.addf %bitcast_convert_type3A, %bitcast_convert_type3A_534 : vector<16xf32>
      %div3A = arith.constant 1.000000e+00 : f32
      %div3A_536 = vector.broadcast %div3A : f32 to vector<16xf32>
      %div3A_537 = arith.divf %div3A_536, %add3A_535 : vector<16xf32>
      %mul3A_538 = arith.mulf %bitcast_convert_type3A, %div3A_537 : vector<16xf32>
      %swap3A = arith.constant 0 : i32
      %swap3A_539 = arith.index_cast %swap3A : i32 to index
      %swap3A_540 = arith.index_cast %mul3A_10 : i32 to index
      %swap3A_541 = tpu.vector_load %arg6[%swap3A_539, %swap3A_540] {strides = array<i32>} : memref<2x1024xf32, #tpu.memory_space<vmem>>, vector<1x16xf32>,
      %swap3A_542 = vector.shape_cast %swap3A_541 : vector<1x16xf32> to vector<16xf32>
      %swap3A_543 = vector.shape_cast %mul3A_538 : vector<16xf32> to vector<1x16xf32>
      tpu.vector_store %arg6[%swap3A_539, %swap3A_540], %swap3A_543 {strides = array<i32>} : memref<2x1024xf32, #tpu.memory_space<vmem>>, vector<1x16xf32>,
      %mul3A_544 = arith.mulf %bitcast_convert_type3A_534, %div3A_537 : vector<16xf32>
      %swap3A_545 = arith.constant 1 : i32
      %swap3A_546 = arith.index_cast %swap3A_545 : i32 to index
      %swap3A_547 = arith.index_cast %mul3A_10 : i32 to index
      %swap3A_548 = tpu.vector_load %arg6[%swap3A_546, %swap3A_547] {strides = array<i32>} : memref<2x1024xf32, #tpu.memory_space<vmem>>, vector<1x16xf32>,
      %swap3A_549 = vector.shape_cast %swap3A_548 : vector<1x16xf32> to vector<16xf32>
      %swap3A_550 = vector.shape_cast %mul3A_544 : vector<16xf32> to vector<1x16xf32>
      tpu.vector_store %arg6[%swap3A_546, %swap3A_547], %swap3A_550 {strides = array<i32>} : memref<2x1024xf32, #tpu.memory_space<vmem>>, vector<1x16xf32>,
      %swap3A_551 = arith.constant 0 : i32
      %swap3A_552 = arith.index_cast %swap3A_551 : i32 to index
      %swap3A_553 = arith.index_cast %mul3A_10 : i32 to index
      %swap3A_554 = tpu.vector_load %arg7[%swap3A_552, %swap3A_553] {strides = array<i32>} : memref<2x1024xi32, #tpu.memory_space<vmem>>, vector<1x16xi32>,
      %swap3A_555 = vector.shape_cast %swap3A_554 : vector<1x16xi32> to vector<16xi32>
      %swap3A_556 = vector.shape_cast %sub3A_521 : vector<16xi32> to vector<1x16xi32>
      tpu.vector_store %arg7[%swap3A_552, %swap3A_553], %swap3A_556 {strides = array<i32>} : memref<2x1024xi32, #tpu.memory_space<vmem>>, vector<1x16xi32>,
      %swap3A_557 = arith.constant 1 : i32
      %swap3A_558 = arith.index_cast %swap3A_557 : i32 to index
      %swap3A_559 = arith.index_cast %mul3A_10 : i32 to index
      %swap3A_560 = tpu.vector_load %arg7[%swap3A_558, %swap3A_559] {strides = array<i32>} : memref<2x1024xi32, #tpu.memory_space<vmem>>, vector<1x16xi32>,
      %swap3A_561 = vector.shape_cast %swap3A_560 : vector<1x16xi32> to vector<16xi32>
      %swap3A_562 = vector.shape_cast %sub3A_527 : vector<16xi32> to vector<1x16xi32>
      tpu.vector_store %arg7[%swap3A_558, %swap3A_559], %swap3A_562 {strides = array<i32>} : memref<2x1024xi32, #tpu.memory_space<vmem>>, vector<1x16xi32>,
    }
    %scan3A_7 = arith.constant 64 : i32
    "tpu.region"() ({
      %run_scoped3A = tpu.sem_alloc : memref<!tpu.dma_semaphore, #tpu.memory_space<semaphore_mem>>
      %dma_start3A = arith.constant 0 : i32
      %dma_start3A_8 = tpu.memref_slice %arg3[%dma_start3A, %mul3A_2] : memref<2x32768xf32, #tpu.memory_space<hbm>> -> memref<2x1024xf32, #tpu.memory_space<hbm>>
      %dma_start3A_9 = arith.constant 0 : i32
      %dma_start3A_10 = tpu.memref_slice %arg3[%dma_start3A_9, %mul3A_2] : memref<2x32768xf32, #tpu.memory_space<hbm>> -> memref<2x1024xf32, #tpu.memory_space<hbm>>
      tpu.enqueue_dma source(%arg6 : memref<2x1024xf32, #tpu.memory_space<vmem>>) target(%dma_start3A_10 : memref<2x1024xf32, #tpu.memory_space<hbm>>) target_semaphore(%run_scoped3A : memref<!tpu.dma_semaphore, #tpu.memory_space<semaphore_mem>>)
      %dma_wait3A = arith.constant 0 : i32
      %dma_wait3A_11 = tpu.memref_slice %arg3[%dma_wait3A, %mul3A_2] : memref<2x32768xf32, #tpu.memory_space<hbm>> -> memref<2x1024xf32, #tpu.memory_space<hbm>>
      %dma_wait3A_12 = arith.constant 0 : i32
      %dma_wait3A_13 = tpu.memref_slice %arg3[%dma_wait3A_12, %mul3A_2] : memref<2x32768xf32, #tpu.memory_space<hbm>> -> memref<2x1024xf32, #tpu.memory_space<hbm>>
      tpu.wait_dma2 semaphore(%run_scoped3A : memref<!tpu.dma_semaphore, #tpu.memory_space<semaphore_mem>>) src(%arg6 : memref<2x1024xf32, #tpu.memory_space<vmem>>) dst(%dma_wait3A_13 : memref<2x1024xf32, #tpu.memory_space<hbm>>)
      tpu.yield
    }) : () -> ()
    "tpu.region"() ({
      %run_scoped3A = tpu.sem_alloc : memref<!tpu.dma_semaphore, #tpu.memory_space<semaphore_mem>>
      %dma_start3A = arith.constant 0 : i32
      %dma_start3A_8 = tpu.memref_slice %arg4[%dma_start3A, %mul3A_2] : memref<2x32768xi32, #tpu.memory_space<hbm>> -> memref<2x1024xi32, #tpu.memory_space<hbm>>
      %dma_start3A_9 = arith.constant 0 : i32
      %dma_start3A_10 = tpu.memref_slice %arg4[%dma_start3A_9, %mul3A_2] : memref<2x32768xi32, #tpu.memory_space<hbm>> -> memref<2x1024xi32, #tpu.memory_space<hbm>>
      tpu.enqueue_dma source(%arg7 : memref<2x1024xi32, #tpu.memory_space<vmem>>) target(%dma_start3A_10 : memref<2x1024xi32, #tpu.memory_space<hbm>>) target_semaphore(%run_scoped3A : memref<!tpu.dma_semaphore, #tpu.memory_space<semaphore_mem>>)
      %dma_wait3A = arith.constant 0 : i32
      %dma_wait3A_11 = tpu.memref_slice %arg4[%dma_wait3A, %mul3A_2] : memref<2x32768xi32, #tpu.memory_space<hbm>> -> memref<2x1024xi32, #tpu.memory_space<hbm>>
      %dma_wait3A_12 = arith.constant 0 : i32
      %dma_wait3A_13 = tpu.memref_slice %arg4[%dma_wait3A_12, %mul3A_2] : memref<2x32768xi32, #tpu.memory_space<hbm>> -> memref<2x1024xi32, #tpu.memory_space<hbm>>
      tpu.wait_dma2 semaphore(%run_scoped3A : memref<!tpu.dma_semaphore, #tpu.memory_space<semaphore_mem>>) src(%arg7 : memref<2x1024xi32, #tpu.memory_space<vmem>>) dst(%dma_wait3A_13 : memref<2x1024xi32, #tpu.memory_space<hbm>>)
      tpu.yield
    }) : () -> ()
    return
  }
}

module attributes {stable_mosaic.version = 14 : i64} {
  func.func @_tc_tile(%arg0: i32, %arg1: memref<4096x768xf32, #tpu.memory_space<vmem>>, %arg2: memref<768x64xf32, #tpu.memory_space<vmem>>, %arg3: memref<64x1xf32, #tpu.memory_space<vmem>>, %arg4: memref<1x1xf32, #tpu.memory_space<vmem>>, %arg5: memref<64x4096xi32, #tpu.memory_space<vmem>>, %arg6: memref<1x1x64xf32, #tpu.memory_space<vmem>>, %arg7: memref<1x1x64xf32, #tpu.memory_space<vmem>>) attributes {dimension_semantics = [#tpu.dimension_semantics<parallel>], iteration_bounds = array<i64: 8>, scalar_prefetch = 0 : i64, scratch_operands = 0 : i64, tpu.core_type = #tpu.core_type<tc>, window_params = [{transform_indices = @transform_0, window_bounds = array<i64: 4096, 768>}, {pipeline_mode = #tpu.pipeline_mode<synchronous>, transform_indices = @transform_1, window_bounds = array<i64: 768, 64>}, {pipeline_mode = #tpu.pipeline_mode<synchronous>, transform_indices = @transform_2, window_bounds = array<i64: 64, 1>}, {pipeline_mode = #tpu.pipeline_mode<synchronous>, transform_indices = @transform_3, window_bounds = array<i64: 1, 1>}, {transform_indices = @transform_4, window_bounds = array<i64: 64, 4096>}, {transform_indices = @transform_5, window_bounds = array<i64: 1, 1, 64>}, {transform_indices = @transform_6, window_bounds = array<i64: 1, 1, 64>}]} {
    %get3A = arith.constant 0 : index
    %get3A_0 = arith.constant 0 : index
    %get3A_1 = vector.load %arg1[%get3A, %get3A_0] : memref<4096x768xf32, #tpu.memory_space<vmem>>, vector<4096x768xf32>
    %get3A_2 = arith.constant 0 : index
    %get3A_3 = arith.constant 0 : index
    %get3A_4 = vector.load %arg2[%get3A_2, %get3A_3] : memref<768x64xf32, #tpu.memory_space<vmem>>, vector<768x64xf32>
    %dot_general3A = arith.constant dense<0.000000e+00> : vector<4096x64xf32>
    %dot_general3A_5 = tpu.matmul %get3A_1, %get3A_4, %dot_general3A {dimension_numbers = #tpu.dot_dimension_numbers<[1], [0], [0], [1], [0, 0, 1, 1], [], []>, transpose_lhs_hint = false} : vector<4096x768xf32>, vector<768x64xf32>, vector<4096x64xf32> -> vector<4096x64xf32>
    %transpose3A = tpu.transpose %dot_general3A_5, [1, 0] : vector<4096x64xf32> -> vector<64x4096xf32>
    %get3A_6 = arith.constant 0 : index
    %get3A_7 = arith.constant 0 : index
    %get3A_8 = vector.load %arg3[%get3A_6, %get3A_7] : memref<64x1xf32, #tpu.memory_space<vmem>>, vector<64x1xf32>
    %add3A = vector.broadcast %get3A_8 : vector<64x1xf32> to vector<64x4096xf32>
    %add3A_9 = arith.addf %transpose3A, %add3A : vector<64x4096xf32>
    %get3A_10 = arith.constant 0 : index
    %get3A_11 = arith.constant 0 : index
    %get3A_12 = vector.load %arg4[%get3A_10, %get3A_11] : memref<1x1xf32, #tpu.memory_space<vmem>>, vector<1x1xf32>
    %get3A_13 = vector.extract %get3A_12[0, 0] : f32 from vector<1x1xf32>
    %mul3A = vector.broadcast %get3A_13 : f32 to vector<64x4096xf32>
    %mul3A_14 = arith.mulf %add3A_9, %mul3A : vector<64x4096xf32>
    %reduce_max3A = vector.shape_cast %mul3A_14 : vector<64x4096xf32> to vector<1x64x4096xf32>
    %reduce_max3A_15 = arith.constant dense<0xFF800000> : vector<1xf32>
    %reduce_max3A_16 = vector.multi_reduction <maximumf>, %reduce_max3A, %reduce_max3A_15 [1, 2] : vector<1x64x4096xf32> to vector<1xf32>
    %reduce_max3A_17 = vector.shape_cast %reduce_max3A_16 : vector<1xf32> to vector<1x1x1xf32>
    %reduce_max3A_18 = vector.extract %reduce_max3A_17[0, 0, 0] : f32 from vector<1x1x1xf32>
    %sub3A = vector.broadcast %reduce_max3A_18 : f32 to vector<64x4096xf32>
    %sub3A_19 = arith.subf %mul3A_14, %sub3A : vector<64x4096xf32>
    %exp3A = math.exp %sub3A_19 : vector<64x4096xf32>
    %reduce_sum3A = arith.constant dense<0.000000e+00> : vector<4096xf32>
    %reduce_sum3A_20 = vector.multi_reduction <add>, %exp3A, %reduce_sum3A [0] : vector<64x4096xf32> to vector<4096xf32>
    %broadcast_in_dim3A = vector.shape_cast %reduce_sum3A_20 : vector<4096xf32> to vector<1x4096xf32>
    %iota3A = tpu.iota {dimensions = array<i32: 0>} : vector<64x4096xi32>
    %bitcast_convert_type3A = tpu.bitcast %exp3A : vector<64x4096xf32> -> vector<64x4096xi32>
    %and3A = arith.constant -64 : i32
    %and3A_21 = vector.broadcast %and3A : i32 to vector<64x4096xi32>
    %and3A_22 = arith.andi %bitcast_convert_type3A, %and3A_21 : vector<64x4096xi32>
    %sub3A_23 = arith.constant 63 : i32
    %sub3A_24 = vector.broadcast %sub3A_23 : i32 to vector<64x4096xi32>
    %sub3A_25 = arith.subi %sub3A_24, %iota3A : vector<64x4096xi32>
    %or3A = arith.ori %and3A_22, %sub3A_25 : vector<64x4096xi32>
    %swap3A = arith.constant 0 : index
    %swap3A_26 = arith.constant 0 : index
    %swap3A_27 = vector.load %arg5[%swap3A, %swap3A_26] : memref<64x4096xi32, #tpu.memory_space<vmem>>, vector<64x4096xi32>
    tpu.vector_store %arg5[%swap3A, %swap3A_26], %or3A {strides = array<i32>} : memref<64x4096xi32, #tpu.memory_space<vmem>>, vector<64x4096xi32>,
    %log3A = math.log %broadcast_in_dim3A : vector<1x4096xf32>
    %add3A_28 = vector.broadcast %reduce_max3A_18 : f32 to vector<1x4096xf32>
    %add3A_29 = arith.addf %add3A_28, %log3A : vector<1x4096xf32>
    %div3A = arith.constant 1.000000e+00 : f32
    %div3A_30 = vector.broadcast %div3A : f32 to vector<1x4096xf32>
    %div3A_31 = arith.divf %div3A_30, %broadcast_in_dim3A : vector<1x4096xf32>
    %mul3A_32 = vector.broadcast %div3A_31 : vector<1x4096xf32> to vector<64x4096xf32>
    %mul3A_33 = arith.mulf %exp3A, %mul3A_32 : vector<64x4096xf32>
    %reduce_sum3A_34 = arith.constant dense<0.000000e+00> : vector<64xf32>
    %reduce_sum3A_35 = vector.multi_reduction <add>, %mul3A_33, %reduce_sum3A_34 [1] : vector<64x4096xf32> to vector<64xf32>
    %broadcast_in_dim3A_36 = vector.shape_cast %reduce_sum3A_35 : vector<64xf32> to vector<64x1xf32>
    %transpose3A_37 = tpu.transpose %broadcast_in_dim3A_36, [1, 0] : vector<64x1xf32> -> vector<1x64xf32>
    %broadcast_in_dim3A_38 = vector.shape_cast %transpose3A_37 : vector<1x64xf32> to vector<1x1x64xf32>
    %swap3A_39 = arith.constant 0 : index
    %swap3A_40 = arith.constant 0 : index
    %swap3A_41 = arith.constant 0 : index
    %swap3A_42 = vector.load %arg6[%swap3A_39, %swap3A_40, %swap3A_41] : memref<1x1x64xf32, #tpu.memory_space<vmem>>, vector<1x1x64xf32>
    tpu.vector_store %arg6[%swap3A_39, %swap3A_40, %swap3A_41], %broadcast_in_dim3A_38 {strides = array<i32>} : memref<1x1x64xf32, #tpu.memory_space<vmem>>, vector<1x1x64xf32>,
    %mul3A_43 = arith.mulf %add3A_29, %add3A_29 : vector<1x4096xf32>
    %reduce_sum3A_44 = vector.shape_cast %mul3A_43 : vector<1x4096xf32> to vector<1x1x4096xf32>
    %reduce_sum3A_45 = arith.constant dense<0.000000e+00> : vector<1xf32>
    %reduce_sum3A_46 = vector.multi_reduction <add>, %reduce_sum3A_44, %reduce_sum3A_45 [1, 2] : vector<1x1x4096xf32> to vector<1xf32>
    %reduce_sum3A_47 = vector.shape_cast %reduce_sum3A_46 : vector<1xf32> to vector<1x1x1xf32>
    %reduce_sum3A_48 = vector.extract %reduce_sum3A_47[0, 0, 0] : f32 from vector<1x1x1xf32>
    %broadcast_in_dim3A_49 = vector.broadcast %reduce_sum3A_48 : f32 to vector<1x1x64xf32>
    %swap3A_50 = arith.constant 0 : index
    %swap3A_51 = arith.constant 0 : index
    %swap3A_52 = arith.constant 0 : index
    %swap3A_53 = vector.load %arg7[%swap3A_50, %swap3A_51, %swap3A_52] : memref<1x1x64xf32, #tpu.memory_space<vmem>>, vector<1x1x64xf32>
    tpu.vector_store %arg7[%swap3A_50, %swap3A_51, %swap3A_52], %broadcast_in_dim3A_49 {strides = array<i32>} : memref<1x1x64xf32, #tpu.memory_space<vmem>>, vector<1x1x64xf32>,
    return
  }
  func.func @transform_0(%arg0: i32) -> (i32, i32) {
    %c0_i32 = arith.constant 0 : i32
    %c0_i32_0 = arith.constant 0 : i32
    return %arg0, %c0_i32 : i32, i32
  }
  func.func @transform_1(%arg0: i32) -> (i32, i32) {
    %c0_i32 = arith.constant 0 : i32
    %c0_i32_0 = arith.constant 0 : i32
    %c0_i32_1 = arith.constant 0 : i32
    return %c0_i32, %c0_i32_0 : i32, i32
  }
  func.func @transform_2(%arg0: i32) -> (i32, i32) {
    %c0_i32 = arith.constant 0 : i32
    %c0_i32_0 = arith.constant 0 : i32
    %c0_i32_1 = arith.constant 0 : i32
    return %c0_i32, %c0_i32_0 : i32, i32
  }
  func.func @transform_3(%arg0: i32) -> (i32, i32) {
    %c0_i32 = arith.constant 0 : i32
    %c0_i32_0 = arith.constant 0 : i32
    %c0_i32_1 = arith.constant 0 : i32
    return %c0_i32, %c0_i32_0 : i32, i32
  }
  func.func @transform_4(%arg0: i32) -> (i32, i32) {
    %c0_i32 = arith.constant 0 : i32
    %c0_i32_0 = arith.constant 0 : i32
    return %c0_i32, %arg0 : i32, i32
  }
  func.func @transform_5(%arg0: i32) -> (i32, i32, i32) {
    %c0_i32 = arith.constant 0 : i32
    %c0_i32_0 = arith.constant 0 : i32
    %c0_i32_1 = arith.constant 0 : i32
    return %arg0, %c0_i32, %c0_i32_0 : i32, i32, i32
  }
  func.func @transform_6(%arg0: i32) -> (i32, i32, i32) {
    %c0_i32 = arith.constant 0 : i32
    %c0_i32_0 = arith.constant 0 : i32
    %c0_i32_1 = arith.constant 0 : i32
    return %arg0, %c0_i32, %c0_i32_0 : i32, i32, i32
  }
}

</mosaic_0001>

<sc_bundles>
// kernel: kernel.4.cloned.1.call-start
scs
__scs_entry_jumppad:
0x0: {  	(pc) =	sbr.rel $0x88, $3  }
0x1: {  	(tag) =	ssettag $0x0;
	lr =	simm.s32 $0x1  }
0x2: {  	[smem:$0x3F9D] =	sst lr;
	_ =	strace $0xD0000000  }
0x3: {  	_ = 	snop  }
0x4: {  	_ = 	snop  }
0x5: {  	_ = 	snop  }
0x6: {  	_ = 	snop  }
0x7: {  	_ = 	snop  }
__scs_overlays_trampoline_lowered:
0x8: {  	[smem:$0x3FAC] =	sst s0  }
0x9: {  	[smem:$0x3FAD] =	sst s1  }
0xa: {  	[smem:$0x3FAE] =	sst s2  }
0xb: {  	[smem:$0x3FAF] =	sst s3  }
0xc: {  	[smem:$0x3FB0] =	sst s4  }
0xd: {  	[smem:$0x3FB1] =	sst s5  }
0xe: {  	[smem:$0x3FB2] =	sst s6  }
0xf: {  	[smem:$0x3FB3] =	sst s7  }
0x10: {  	[smem:$0x3FB4] =	sst s8  }
0x11: {  	[smem:$0x3FB5] =	sst s9;
	s0 =	simm.s32 @!p0 $0x0  }
0x12: {  	s1 =	sld [smem:$0x3F9B];
	s0 =	simm.s32 @p0 $0x1  }
0x13: {  	[smem:$0x3FB6] =	sst s0;
	s0 =	simm.s32 @!p1 $0x0  }
0x14: {  	s2 =	sld [smem:$0x3F9A];
	s0 =	simm.s32 @p1 $0x1  }
0x15: {  	[smem:$0x3FB7] =	sst s0;
	s0 =	simm.s32 @!p2 $0x0  }
0x16: {  	s3 =	sld [smem:$0x3FDB];
	s0 =	simm.s32 @p2 $0x1  }
0x17: {  	s4 =	simm.s32 $0x1BF5;
	[smem:$0x3FB9] =	sst s0  }
0x18: {  	s0 =	sld [smem:$0x3F9C];
	_ =	swait.ge [sflag:s4], $0x0  }
0x19: {  	s7 =	sld [smem:$0x3F9D]  }
0x1a: {  	s8 =	sadd.s32 $0xFFFFE003, lr  }
0x1b: {  	s9 =	sadd.s32 $0xFFFFFEF7, lr;
	s5 =	simm.s32 $0xFFFFFFFF;
	p2 =	slt.u32 s8, $0xFFFFF086  }
0x1c: {  	p1 =	slt.u32 s9, $0xF7A;
	s5 =	simm.s32 @!p2 $0x0  }
0x1d: {  	s5 =	simm.s32 @p1 $0x1;
	p0 =	seq.s32 s7, s2  }
0x1e: {  	s7 =	smul.u32 @!p0 $0xF7A, s2;
	p2 =	seq.s32 @!p0 s5, $0x0  }
0x1f: {  	s9 =	smul.u32 $0xF7A, s1;
	s8 =	simm.s32 @!p0 $0x1BF5;
	p2 =	por !p2, p0  }
0x20: {  	[sflag:s8] =	ssyncset.s32 @!p0 $0xFFFFF086;
	s6 =	sadd.s32 @!p0 s3, s7;
	s7 =	simm.s32 @!p0 $0x108  }
0x21: {  	s3 =	sadd.s32 s3, s9;
	s6 =	sadd.s32 @!p0 $0x88, s6;
	s7 =	simm.s32 @p2 $0x1082  }
0x22: {  	[simem:s7], [sflag:s8] =	dma.local @!p0 [hbm:s6], $0xF7A  }
0x23: {  	s9 =	sor.u32 $0xD0000000, s2;
	s6 =	simm.s32 $0x108;
	_ =	swait.ge @!p0 [sflag:s8], $0x0  }
0x24: {  	s3 =	sadd.s32 $0x88, s3;
	s6 =	simm.s32 @!p1 $0x1082;
	[sflag:s4] =	ssyncset.s32 $0xFFFFF086  }
0x25: {  	[simem:s6], [sflag:s4] =	dma.local [hbm:s3], $0xF7A  }
0x26: {  	[smem:$0x3F9D] =	sst s1;
	(tag) =	ssettag s2;
	_ =	strace s9  }
0x27: {  	s1 =	sld [smem:$0x3FAD]  }
0x28: {  	s2 =	sld [smem:$0x3FAE]  }
0x29: {  	s4 =	sld [smem:$0x3FB0]  }
0x2a: {  	p0 =	seq.s32 s5, $0x0;
	s5 =	sld [smem:$0x3FB1]  }
0x2b: {  	s6 =	sld [smem:$0x3FB2]  }
0x2c: {  	s7 =	sld [smem:$0x3FB3]  }
0x2d: {  	s3 =	simm.s32 $0x108;
	s8 =	sld [smem:$0x3FB4]  }
0x2e: {  	s3 =	simm.s32 @!p0 $0x1082;
	s9 =	sld [smem:$0x3FB5]  }
0x2f: {  	lr =	sadd.s32 s0, s3;
	s0 =	sld [smem:$0x3FAC]  }
0x30: {  	s3 =	sld [smem:$0x3FAF]  }
0x31: {  	[smem:$0x3FB8] =	sst s10  }
0x32: {  	s10 =	sld [smem:$0x3FB6];
	_ =	sdelay $0x3  }
0x33: {  	p0 =	seq.s32 s10, $0x1;
	s10 =	sld [smem:$0x3FB8];
	_ =	sdelay $0x3  }
0x34: {  	[smem:$0x3FB8] =	sst s10  }
0x35: {  	s10 =	sld [smem:$0x3FB7];
	_ =	sdelay $0x3  }
0x36: {  	p1 =	seq.s32 s10, $0x1;
	s10 =	sld [smem:$0x3FB8];
	_ =	sdelay $0x3  }
0x37: {  	[smem:$0x3FB8] =	sst s10  }
0x38: {  	s10 =	sld [smem:$0x3FB9]  }
0x39: {  	_ = 	snop;
	(pc) =	sbr.ind lr, $3  }
0x3a: {  	_ = 	snop  }
0x3b: {  	_ = 	snop  }
0x3c: {  	p2 =	seq.s32 s10, $0x1;
	s10 =	sld [smem:$0x3FB8]  }
0x3d: {  	_ =	shalt  }
0x3e: {  	_ =	shalt  }
0x3f: {  	_ =	shalt  }
0x40: {  	_ =	shalt  }
0x41: {  	_ =	shalt  }
0x42: {  	_ =	shalt  }
0x43: {  	_ =	shalt  }
0x44: {  	_ =	shalt  }
0x45: {  	_ =	shalt  }
0x46: {  	_ =	shalt  }
0x47: {  	_ =	shalt  }
0x48: {  	_ =	shalt  }
0x49: {  	_ =	shalt  }
0x4a: {  	_ =	shalt  }
0x4b: {  	_ =	shalt  }
0x4c: {  	_ =	shalt  }
0x4d: {  	_ =	shalt  }
0x4e: {  	_ =	shalt  }
0x4f: {  	_ =	shalt  }
0x50: {  	_ =	shalt  }
0x51: {  	_ =	shalt  }
0x52: {  	_ =	shalt  }
0x53: {  	_ =	shalt  }
0x54: {  	_ =	shalt  }
0x55: {  	_ =	shalt  }
0x56: {  	_ =	shalt  }
0x57: {  	_ =	shalt  }
0x58: {  	_ =	shalt  }
0x59: {  	_ =	shalt  }
0x5a: {  	_ =	shalt  }
0x5b: {  	_ =	shalt  }
0x5c: {  	_ =	shalt  }
0x5d: {  	_ =	shalt  }
0x5e: {  	_ =	shalt  }
0x5f: {  	_ =	shalt  }
0x60: {  	_ =	shalt  }
0x61: {  	_ =	shalt  }
0x62: {  	_ =	shalt  }
0x63: {  	_ =	shalt  }
0x64: {  	_ =	shalt  }
0x65: {  	_ =	shalt  }
0x66: {  	_ =	shalt  }
0x67: {  	_ =	shalt  }
0x68: {  	_ =	shalt  }
0x69: {  	_ =	shalt  }
0x6a: {  	_ =	shalt  }
0x6b: {  	_ =	shalt  }
0x6c: {  	_ =	shalt  }
0x6d: {  	_ =	shalt  }
0x6e: {  	_ =	shalt  }
0x6f: {  	_ =	shalt  }
0x70: {  	_ =	shalt  }
0x71: {  	_ =	shalt  }
0x72: {  	_ =	shalt  }
0x73: {  	_ =	shalt  }
0x74: {  	_ =	shalt  }
0x75: {  	_ =	shalt  }
0x76: {  	_ =	shalt  }
0x77: {  	_ =	shalt  }
0x78: {  	_ =	shalt  }
0x79: {  	_ =	shalt  }
0x7a: {  	_ =	shalt  }
0x7b: {  	_ =	shalt  }
0x7c: {  	_ =	shalt  }
0x7d: {  	_ =	shalt  }
0x7e: {  	_ =	shalt  }
0x7f: {  	_ =	shalt  }
0x80: {  	_ =	shalt  }
0x81: {  	_ =	shalt  }
0x82: {  	_ =	shalt  }
0x83: {  	_ =	shalt  }
0x84: {  	_ =	shalt  }
0x85: {  	_ =	shalt  }
0x86: {  	_ =	shalt  }
0x87: {  	_ =	shalt  }
.Lfunc_end0:
.L_simem_size_0:
called_computation_lowered:
.L_overlay_start_0:
0x88: {  	s2 =	sld [smem:$0x3FD9]  }
0x89: {  	s3 =	sld [smem:$0x3FFE];
	_ =	sdelay $0x1  }
0x8a: {  	s1 =	srdreg.scid  }
0x8b: {  	s0 =	sand.u32 $0x1, s1  }
0x8c: {  	s14 =	sshll.u32 s0, $0xA;
	s2 =	sadd.s32 s3, s2  }
0x8d: {  	s2 =	sadd.s32 s2, s14  }
0x8e: {  	[smem:$0x3FC4] =	sst s2  }
0x8f: {  	_ = 	snop  }
0x90: {  	s2 =	sld [smem:$0x3FD0];
	_ =	sdelay $0x2  }
0x91: {  	s15 =	simm.s32 $0xA;
	s4 =	simm.s32 $0x10  }
0x92: {  	[smem:s4], [sflag:s15] =	dma.local [hbm:s2], $0x1  }
0x93: {  	_ =	swait.eq [sflag:s15], $0x1  }
0x94: {  	[sflag:s15] =	ssyncset.done $0x0  }
0x95: {  	s16 =	sld [smem:$0x10];
	[sflag:s15] =	ssyncadd.s32 $0xFFFFFFFF  }
0x96: {  	s17 =	sld [smem:$0x11];
	(tm) =	ssettm $0x1  }
0x97: {  	s18 =	sld [smem:$0x3FFB];
	_ =	sdelay $0x3  }
0x98: {  	_ =	strace s18  }
0x99: {  	s4 =	sld [smem:$0x3FFC];
	_ =	sdelay $0x3  }
0x9a: {  	_ =	strace s4  }
0x9b: {  	s4 =	sld [smem:$0x3FFD];
	_ =	sdelay $0x3  }
0x9c: {  	_ =	strace s4  }
0x9d: {  	_ =	strace $0x8FFFFFFF  }
0x9e: {  	s19 =	sld [smem:$0x3FDB];
	_ =	sdelay $0x1  }
0x9f: {  	s5 =	simm.s32 $_scs_section_size  }
0xa0: {  	s6 =	simm.s32 $_size__tile_overlayer_lowered;
	s7 =	simm.s32 $_tile_overlayer_lowered  }
0xa1: {  	s22 =	simm.s32 $0x1BFF;
	s21 =	sshll.u32 s7, $0x1;
	s4 =	sadd.s32 s5, s19  }
0xa2: {  	s8 =	simm.s32 $0x0;
	s20 =	sshll.u32 s6, $0x1;
	s6 =	sadd.s32 s21, s4  }
0xa3: {  	[timem:s8], [sflag:s22] =	dma.local [hbm:s6], s20  }
0xa4: {  	_ =	swait.ge [sflag:s22], s20  }
0xa5: {  	s5 =	ssub.s32 $0x0, s20;
	[sflag:s22] =	ssyncset.done $0x0  }
0xa6: {  	[sflag:s22] =	ssyncadd.s32 s5;
	_ =	sdelay $0x1  }
0xa7: {  	s23 =	simm.s32 $0x1B8B  }
0xa8: {  	_ =	swait.ge [sflag:s23], $0x1  }
0xa9: {  	[sflag:s23] =	ssyncset.done $0x0  }
0xaa: {  	s25 =	simm.s32 $0x1B8E;
	s24 =	sld [smem:$0x3FFE];
	[sflag:s23] =	ssyncadd.s32 $0xFFFFFFFF  }
0xab: {  	s26 =	simm.s32 $execute0_lowered;
	[smem:$0x3FD2] =	sst s25  }
0xac: {  	s6 =	sshll.u32 s26, $0x1;
	_ =	strace $0x80000046;
	[dreg:$0x1] =	wrdreg $0xFFFFFFFF  }
0xad: {  	s28 =	simm.s32 $_size_execute0_lowered;
	s4 =	sadd.s32 s4, s6;
	[dreg:$0x0] =	wrdreg $0x0  }
0xae: {  	s6 =	sshll.u32 s28, $0x1;
	[dreg:$0x2] =	wrdreg s4  }
0xaf: {  	[dreg:$0x3] =	wrdreg s6  }
0xb0: {  	[dreg:$0x4] =	wrdreg $0xC0  }
0xb1: {  	_ =	task [dreg:s8], $0x5FFFF  }
0xb2: {  	[dreg:$0x1] =	wrdreg $0xFFFFFFFF  }
0xb3: {  	[dreg:$0x0] =	wrdreg $0x60  }
0xb4: {  	[dreg:$0x2] =	wrdreg s24  }
0xb5: {  	[dreg:$0x3] =	wrdreg s16  }
0xb6: {  	[dreg:$0x4] =	wrdreg s17  }
0xb7: {  	[dreg:$0x5] =	wrdreg $0x9  }
0xb8: {  	_ =	task.clear_ibuf [dreg:s8], $0x6FFFF;
	_ =	strace $0x90000046  }
0xb9: {  	s29 =	simm.s32 $0x9;
	_ =	strace $0x80000048  }
0xba: {  	_ =	swait.ge [sflag:s29], $0x1  }
0xbb: {  	[sflag:s29] =	ssyncadd.s32 $0xFFFFFFFF  }
0xbc: {  	_ =	strace $0x90000048  }
0xbd: {  	_ =	sfence  }
0xbe: {  	s30 =	sld [smem:$0x0];
	_ =	sdelay $0x2  }
0xbf: {  	s31 =	sshll.u32 s1, $0xD;
	s1 =	sshrl.u32 s1, $0x2  }
0xc0: {  	s3 =	sand.u32 $0x4000, s31;
	s1 =	sadd.s32 s1, s30  }
0xc1: {  	s0 =	sor.u32 s3, s0;
	s1 =	sshll.u32 s1, $0x11  }
0xc2: {  	s0 =	sor.u32 s1, s0  }
0xc3: {  	s0 =	sadd.s32 $0x8F2B, s0  }
0xc4: {  	[sflag:s0] =	ssyncadd.remote.s32 $0x1  }
0xc5: {  	_ =	sfence.sel $0xFFFF  }
0xc6: {  	[dreg:$0x0] =	wrdreg $0xFFFFFFFF;
	(pc) =	sbr.abs _section_cstart, $3  }
0xc7: {  	[dreg:$0x1] =	wrdreg $0xFFFFFFFF  }
0xc8: {  	_ =	task.clear_ibuf [dreg:s8], $0x2FFFF;
	_ =	strace $0x9FFFFFFF  }
0xc9: {  	(tm) =	ssettm $0x7FFFFFFF  }
tec
execute0_lowered:
.L_overlay_start_1:
0x0: {  	(tag) =	ssettag $0x1  }
0x1: {  	s3 =	rddreg [dreg:$0x0]  }
0x2: {  	s4 =	rddreg [dreg:$0x1]  }
0x3: {  	s5 =	rddreg [dreg:$0x2]  }
0x4: {  	s0 =	rddreg [dreg:$0x3];
	s2 =	simm.s32 $0x0;
	s6 =	srdreg.scid  }
0x5: {  	s1 =	stileid.u32;
	s10 =	simm.s32 $0x10000;
	s11 =	simm.s32 $0x10800  }
0x6: {  	s12 =	simm.s32 $0x0;
	[smem:$0x7FF] =	sst s2;
	s6 =	sand.u32 $0x1, s6  }
0x7: {  	s8 =	sshll.u32 s1, $0xB;
	s7 =	ssub.s32 $0x2, s6;
	s6 =	sshll.u32 s6, $0xA  }
0x8: {  	_ =	strace $0x80000047;
	s9 =	sshrl.u32 s7, $0x1;
	s6 =	sor.u32 s6, s8  }
0x9: {  	s8 =	simm.s32 $0x40000;
	s3 =	sadd.s32 s3, s6;
	s6 =	sshrl.u32 s6, $0x2  }
0xa: {  	s7 =	ssub.s32 s7, s9;
	s9 =	simm.s32 $0x1;
	s4 =	sadd.s32 s4, s6  }
0xb: {  	s5 =	sadd.s32 s5, s6;
	s6 =	smax.u32 s7, $0x1;
	s7 =	simm.s32 $0x2000  }
.LBB2_1:
0xc: {  	[tilespmem:s2], [sflag:$0x1] =	stream.strided.gather [hbm4b:s3+s7], $0x10000, s8, s7, $0x38;
	[tilespmem:$0x11000] =	vst v63  }
0xd: {  	s14 =	simm.s32 $0x0;
	_ =	swait.ge [sflag:s9], $0x10000  }
0xe: {  	s13 =	sand.u32 $0x70, s2;
	s14 =	sand.u32 $0x3FFFFC00, s14;
	[sflag:s9] =	ssyncset.done $0x0  }
0xf: {  	s14 =	sor.u32 s13, s14;
	[sflag:s9] =	ssyncadd.s32 $0xFFFF0000  }
0x10: {  	v0 =	vld [tilespmem:s14+$0x0]  }
0x11: {  	v1 =	vld [tilespmem:s14+$0x80];
	_ =	sdelay $0x1  }
0x12: {  	v2 =	vld [tilespmem:s14+$0x100];
	_ =	sdelay $0x1  }
0x13: {  	v3 =	vld [tilespmem:s14+$0x180]  }
0x14: {  	vm0 =	vgt.s32 v0, v1  }
0x15: {  	v5 =	vld [tilespmem:s14+$0x200];
	v4 =	vsel vm0, v0, v1  }
0x16: {  	vm1 =	vgt.s32 v4, v2  }
0x17: {  	v24 =	vld [tilespmem:s14+$0x280];
	v0 =	vsel vm0, v1, v0;
	v1 =	vsel vm1, v2, v4;
	v2 =	vsel vm1, v4, v2  }
0x18: {  	vm0 =	vgt.s32 v0, v1;
	vm1 =	vgt.s32 v2, v3  }
0x19: {  	v0 =	vsel vm0, v0, v1;
	v1 =	vsel vm1, v3, v2;
	v2 =	vsel vm1, v2, v3;
	v3 =	vld [tilespmem:s14+$0x300]  }
0x1a: {  	vm0 =	vgt.s32 v0, v1;
	vm1 =	vgt.s32 v2, v5  }
0x1b: {  	v25 =	vld [tilespmem:s14+$0x380];
	v0 =	vsel vm0, v0, v1;
	v1 =	vsel vm1, v5, v2;
	v2 =	vsel vm1, v2, v5  }
0x1c: {  	vm0 =	vgt.s32 v0, v1;
	vm1 =	vgt.s32 v2, v24  }
0x1d: {  	v26 =	vld [tilespmem:s14+$0x2000];
	v0 =	vsel vm0, v0, v1;
	v1 =	vsel vm1, v24, v2;
	v2 =	vsel vm1, v2, v24  }
0x1e: {  	vm0 =	vgt.s32 v0, v1;
	vm1 =	vgt.s32 v2, v3  }
0x1f: {  	v0 =	vsel vm0, v0, v1;
	v1 =	vsel vm1, v3, v2;
	v2 =	vsel vm1, v2, v3;
	v3 =	vld [tilespmem:s14+$0x2080]  }
0x20: {  	vm0 =	vgt.s32 v0, v1;
	vm1 =	vgt.s32 v2, v25  }
0x21: {  	v27 =	vld [tilespmem:s14+$0x2100];
	v0 =	vsel vm0, v0, v1;
	v1 =	vsel vm1, v25, v2;
	v2 =	vsel vm1, v2, v25  }
0x22: {  	vm0 =	vgt.s32 v0, v1;
	vm1 =	vgt.s32 v2, v26  }
0x23: {  	v28 =	vld [tilespmem:s14+$0x2180];
	v0 =	vsel vm0, v0, v1;
	v1 =	vsel vm1, v26, v2;
	v2 =	vsel vm1, v2, v26  }
0x24: {  	vm0 =	vgt.s32 v0, v1;
	vm1 =	vgt.s32 v2, v3  }
0x25: {  	v0 =	vsel vm0, v0, v1;
	v1 =	vsel vm1, v3, v2;
	v2 =	vsel vm1, v2, v3;
	v3 =	vld [tilespmem:s14+$0x2200]  }
0x26: {  	vm0 =	vgt.s32 v0, v1;
	vm1 =	vgt.s32 v2, v27  }
0x27: {  	v29 =	vld [tilespmem:s14+$0x2280];
	v0 =	vsel vm0, v0, v1;
	v1 =	vsel vm1, v27, v2;
	v2 =	vsel vm1, v2, v27  }
0x28: {  	vm0 =	vgt.s32 v0, v1;
	vm1 =	vgt.s32 v2, v28  }
0x29: {  	v30 =	vld [tilespmem:s14+$0x2300];
	v0 =	vsel vm0, v0, v1;
	v1 =	vsel vm1, v28, v2;
	v2 =	vsel vm1, v2, v28  }
0x2a: {  	vm0 =	vgt.s32 v0, v1;
	vm1 =	vgt.s32 v2, v3  }
0x2b: {  	v0 =	vsel vm0, v0, v1;
	v1 =	vsel vm1, v3, v2;
	v2 =	vsel vm1, v2, v3;
	v3 =	vld [tilespmem:s14+$0x2380]  }
0x2c: {  	vm0 =	vgt.s32 v0, v1;
	vm1 =	vgt.s32 v2, v29  }
0x2d: {  	v31 =	vld [tilespmem:s14+$0x4000];
	v0 =	vsel vm0, v0, v1;
	v1 =	vsel vm1, v29, v2;
	v2 =	vsel vm1, v2, v29  }
0x2e: {  	vm0 =	vgt.s32 v0, v1;
	vm1 =	vgt.s32 v2, v30  }
0x2f: {  	v32 =	vld [tilespmem:s14+$0x4080];
	v0 =	vsel vm0, v0, v1;
	v1 =	vsel vm1, v30, v2;
	v2 =	vsel vm1, v2, v30  }
0x30: {  	vm0 =	vgt.s32 v0, v1;
	vm1 =	vgt.s32 v2, v3  }
0x31: {  	v0 =	vsel vm0, v0, v1;
	v1 =	vsel vm1, v3, v2;
	v2 =	vsel vm1, v2, v3;
	v3 =	vld [tilespmem:s14+$0x4100]  }
0x32: {  	vm0 =	vgt.s32 v0, v1;
	vm1 =	vgt.s32 v2, v31  }
0x33: {  	v33 =	vld [tilespmem:s14+$0x4180];
	v0 =	vsel vm0, v0, v1;
	v1 =	vsel vm1, v31, v2;
	v2 =	vsel vm1, v2, v31  }
0x34: {  	vm0 =	vgt.s32 v0, v1;
	vm1 =	vgt.s32 v2, v32  }
0x35: {  	v34 =	vld [tilespmem:s14+$0x4200];
	v0 =	vsel vm0, v0, v1;
	v1 =	vsel vm1, v32, v2;
	v2 =	vsel vm1, v2, v32  }
0x36: {  	vm0 =	vgt.s32 v0, v1;
	vm1 =	vgt.s32 v2, v3  }
0x37: {  	v0 =	vsel vm0, v0, v1;
	v1 =	vsel vm1, v3, v2;
	v2 =	vsel vm1, v2, v3;
	v3 =	vld [tilespmem:s14+$0x4280]  }
0x38: {  	vm0 =	vgt.s32 v0, v1;
	vm1 =	vgt.s32 v2, v33  }
0x39: {  	v35 =	vld [tilespmem:s14+$0x4300];
	v0 =	vsel vm0, v0, v1;
	v1 =	vsel vm1, v33, v2;
	v2 =	vsel vm1, v2, v33  }
0x3a: {  	vm0 =	vgt.s32 v0, v1;
	vm1 =	vgt.s32 v2, v34  }
0x3b: {  	v36 =	vld [tilespmem:s14+$0x4380];
	v0 =	vsel vm0, v0, v1;
	v1 =	vsel vm1, v34, v2;
	v2 =	vsel vm1, v2, v34  }
0x3c: {  	vm0 =	vgt.s32 v0, v1;
	vm1 =	vgt.s32 v2, v3  }
0x3d: {  	v0 =	vsel vm0, v0, v1;
	v1 =	vsel vm1, v3, v2;
	v2 =	vsel vm1, v2, v3;
	v3 =	vld [tilespmem:s14+$0x6000]  }
0x3e: {  	vm0 =	vgt.s32 v0, v1;
	vm1 =	vgt.s32 v2, v35  }
0x3f: {  	v37 =	vld [tilespmem:s14+$0x6080];
	v0 =	vsel vm0, v0, v1;
	v1 =	vsel vm1, v35, v2;
	v2 =	vsel vm1, v2, v35  }
0x40: {  	vm0 =	vgt.s32 v0, v1;
	vm1 =	vgt.s32 v2, v36  }
0x41: {  	v38 =	vld [tilespmem:s14+$0x6100];
	v0 =	vsel vm0, v0, v1;
	v1 =	vsel vm1, v36, v2;
	v2 =	vsel vm1, v2, v36  }
0x42: {  	vm0 =	vgt.s32 v0, v1;
	vm1 =	vgt.s32 v2, v3  }
0x43: {  	v0 =	vsel vm0, v0, v1;
	v1 =	vsel vm1, v3, v2;
	v2 =	vsel vm1, v2, v3;
	v3 =	vld [tilespmem:s14+$0x6180]  }
0x44: {  	vm0 =	vgt.s32 v0, v1;
	vm1 =	vgt.s32 v2, v37  }
0x45: {  	v39 =	vld [tilespmem:s14+$0x6200];
	v0 =	vsel vm0, v0, v1;
	v1 =	vsel vm1, v37, v2;
	v2 =	vsel vm1, v2, v37  }
0x46: {  	vm0 =	vgt.s32 v0, v1;
	vm1 =	vgt.s32 v2, v38  }
0x47: {  	v40 =	vld [tilespmem:s14+$0x6280];
	v0 =	vsel vm0, v0, v1;
	v1 =	vsel vm1, v38, v2;
	v2 =	vsel vm1, v2, v38  }
0x48: {  	vm0 =	vgt.s32 v0, v1;
	vm1 =	vgt.s32 v2, v3  }
0x49: {  	v0 =	vsel vm0, v0, v1;
	v1 =	vsel vm1, v3, v2;
	v2 =	vsel vm1, v2, v3;
	v3 =	vld [tilespmem:s14+$0x6300]  }
0x4a: {  	vm0 =	vgt.s32 v0, v1;
	vm1 =	vgt.s32 v2, v39  }
0x4b: {  	v41 =	vld [tilespmem:s14+$0x6380];
	v0 =	vsel vm0, v0, v1;
	v1 =	vsel vm1, v39, v2;
	v2 =	vsel vm1, v2, v39  }
0x4c: {  	vm0 =	vgt.s32 v0, v1;
	vm1 =	vgt.s32 v2, v40  }
0x4d: {  	v42 =	vld [tilespmem:s14+$0x8000];
	v0 =	vsel vm0, v0, v1;
	v1 =	vsel vm1, v40, v2;
	v2 =	vsel vm1, v2, v40  }
0x4e: {  	vm0 =	vgt.s32 v0, v1;
	vm1 =	vgt.s32 v2, v3  }
0x4f: {  	v0 =	vsel vm0, v0, v1;
	v1 =	vsel vm1, v3, v2;
	v2 =	vsel vm1, v2, v3;
	v3 =	vld [tilespmem:s14+$0x8080]  }
0x50: {  	vm0 =	vgt.s32 v0, v1;
	vm1 =	vgt.s32 v2, v41  }
0x51: {  	v43 =	vld [tilespmem:s14+$0x8100];
	v0 =	vsel vm0, v0, v1;
	v1 =	vsel vm1, v41, v2;
	v2 =	vsel vm1, v2, v41  }
0x52: {  	vm0 =	vgt.s32 v0, v1;
	vm1 =	vgt.s32 v2, v42  }
0x53: {  	v44 =	vld [tilespmem:s14+$0x8180];
	v0 =	vsel vm0, v0, v1;
	v1 =	vsel vm1, v42, v2;
	v2 =	vsel vm1, v2, v42  }
0x54: {  	vm0 =	vgt.s32 v0, v1;
	vm1 =	vgt.s32 v2, v3  }
0x55: {  	v0 =	vsel vm0, v0, v1;
	v1 =	vsel vm1, v3, v2;
	v2 =	vsel vm1, v2, v3;
	v3 =	vld [tilespmem:s14+$0x8200]  }
0x56: {  	vm0 =	vgt.s32 v0, v1;
	vm1 =	vgt.s32 v2, v43  }
0x57: {  	v45 =	vld [tilespmem:s14+$0x8280];
	v0 =	vsel vm0, v0, v1;
	v1 =	vsel vm1, v43, v2;
	v2 =	vsel vm1, v2, v43  }
0x58: {  	vm0 =	vgt.s32 v0, v1;
	vm1 =	vgt.s32 v2, v44  }
0x59: {  	v46 =	vld [tilespmem:s14+$0x8300];
	v0 =	vsel vm0, v0, v1;
	v1 =	vsel vm1, v44, v2;
	v2 =	vsel vm1, v2, v44  }
0x5a: {  	vm0 =	vgt.s32 v0, v1;
	vm1 =	vgt.s32 v2, v3  }
0x5b: {  	v0 =	vsel vm0, v0, v1;
	v1 =	vsel vm1, v3, v2;
	v2 =	vsel vm1, v2, v3;
	v3 =	vld [tilespmem:s14+$0x8380]  }
0x5c: {  	vm0 =	vgt.s32 v0, v1;
	vm1 =	vgt.s32 v2, v45  }
0x5d: {  	v47 =	vld [tilespmem:s14+$0xA000];
	v0 =	vsel vm0, v0, v1;
	v1 =	vsel vm1, v45, v2;
	v2 =	vsel vm1, v2, v45  }
0x5e: {  	vm0 =	vgt.s32 v0, v1;
	vm1 =	vgt.s32 v2, v46  }
0x5f: {  	v48 =	vld [tilespmem:s14+$0xA080];
	v0 =	vsel vm0, v0, v1;
	v1 =	vsel vm1, v46, v2;
	v2 =	vsel vm1, v2, v46  }
0x60: {  	vm0 =	vgt.s32 v0, v1;
	vm1 =	vgt.s32 v2, v3  }
0x61: {  	v0 =	vsel vm0, v0, v1;
	v1 =	vsel vm1, v3, v2;
	v2 =	vsel vm1, v2, v3;
	v3 =	vld [tilespmem:s14+$0xA100]  }
0x62: {  	vm0 =	vgt.s32 v0, v1;
	vm1 =	vgt.s32 v2, v47  }
0x63: {  	v49 =	vld [tilespmem:s14+$0xA180];
	v0 =	vsel vm0, v0, v1;
	v1 =	vsel vm1, v47, v2;
	v2 =	vsel vm1, v2, v47  }
0x64: {  	vm0 =	vgt.s32 v0, v1;
	vm1 =	vgt.s32 v2, v48  }
0x65: {  	v50 =	vld [tilespmem:s14+$0xA200];
	v0 =	vsel vm0, v0, v1;
	v1 =	vsel vm1, v48, v2;
	v2 =	vsel vm1, v2, v48  }
0x66: {  	vm0 =	vgt.s32 v0, v1;
	vm1 =	vgt.s32 v2, v3  }
0x67: {  	v0 =	vsel vm0, v0, v1;
	v1 =	vsel vm1, v3, v2;
	v2 =	vsel vm1, v2, v3;
	v3 =	vld [tilespmem:s14+$0xA280]  }
0x68: {  	vm0 =	vgt.s32 v0, v1;
	vm1 =	vgt.s32 v2, v49  }
0x69: {  	v51 =	vld [tilespmem:s14+$0xA300];
	v0 =	vsel vm0, v0, v1;
	v1 =	vsel vm1, v49, v2;
	v2 =	vsel vm1, v2, v49  }
0x6a: {  	vm0 =	vgt.s32 v0, v1;
	vm1 =	vgt.s32 v2, v50  }
0x6b: {  	v52 =	vld [tilespmem:s14+$0xA380];
	v0 =	vsel vm0, v0, v1;
	v1 =	vsel vm1, v50, v2;
	v2 =	vsel vm1, v2, v50  }
0x6c: {  	vm0 =	vgt.s32 v0, v1;
	vm1 =	vgt.s32 v2, v3  }
0x6d: {  	v0 =	vsel vm0, v0, v1;
	v1 =	vsel vm1, v3, v2;
	v2 =	vsel vm1, v2, v3;
	v3 =	vld [tilespmem:s14+$0xC000]  }
0x6e: {  	vm0 =	vgt.s32 v0, v1;
	vm1 =	vgt.s32 v2, v51  }
0x6f: {  	v53 =	vld [tilespmem:s14+$0xC080];
	v0 =	vsel vm0, v0, v1;
	v1 =	vsel vm1, v51, v2;
	v2 =	vsel vm1, v2, v51  }
0x70: {  	vm0 =	vgt.s32 v0, v1;
	vm1 =	vgt.s32 v2, v52  }
0x71: {  	v54 =	vld [tilespmem:s14+$0xC100];
	v0 =	vsel vm0, v0, v1;
	v1 =	vsel vm1, v52, v2;
	v2 =	vsel vm1, v2, v52  }
0x72: {  	vm0 =	vgt.s32 v0, v1;
	vm1 =	vgt.s32 v2, v3  }
0x73: {  	v0 =	vsel vm0, v0, v1;
	v1 =	vsel vm1, v3, v2;
	v2 =	vsel vm1, v2, v3;
	v3 =	vld [tilespmem:s14+$0xC180]  }
0x74: {  	vm0 =	vgt.s32 v0, v1;
	vm1 =	vgt.s32 v2, v53  }
0x75: {  	v55 =	vld [tilespmem:s14+$0xC200];
	v0 =	vsel vm0, v0, v1;
	v1 =	vsel vm1, v53, v2;
	v2 =	vsel vm1, v2, v53  }
0x76: {  	vm0 =	vgt.s32 v0, v1;
	vm1 =	vgt.s32 v2, v54  }
0x77: {  	v56 =	vld [tilespmem:s14+$0xC280];
	v0 =	vsel vm0, v0, v1;
	v1 =	vsel vm1, v54, v2;
	v2 =	vsel vm1, v2, v54  }
0x78: {  	vm0 =	vgt.s32 v0, v1;
	vm1 =	vgt.s32 v2, v3  }
0x79: {  	v0 =	vsel vm0, v0, v1;
	v1 =	vsel vm1, v3, v2;
	v2 =	vsel vm1, v2, v3;
	v3 =	vld [tilespmem:s14+$0xC300]  }
0x7a: {  	vm0 =	vgt.s32 v0, v1;
	vm1 =	vgt.s32 v2, v55  }
0x7b: {  	v57 =	vld [tilespmem:s14+$0xC380];
	v0 =	vsel vm0, v0, v1;
	v1 =	vsel vm1, v55, v2;
	v2 =	vsel vm1, v2, v55  }
0x7c: {  	vm0 =	vgt.s32 v0, v1;
	vm1 =	vgt.s32 v2, v56  }
0x7d: {  	v58 =	vld [tilespmem:s14+$0xE000];
	v0 =	vsel vm0, v0, v1;
	v1 =	vsel vm1, v56, v2;
	v2 =	vsel vm1, v2, v56  }
0x7e: {  	vm0 =	vgt.s32 v0, v1;
	vm1 =	vgt.s32 v2, v3  }
0x7f: {  	v0 =	vsel vm0, v0, v1;
	v1 =	vsel vm1, v3, v2;
	v2 =	vsel vm1, v2, v3;
	v3 =	vld [tilespmem:s14+$0xE080]  }
0x80: {  	vm0 =	vgt.s32 v0, v1;
	vm1 =	vgt.s32 v2, v57  }
0x81: {  	v59 =	vld [tilespmem:s14+$0xE100];
	v0 =	vsel vm0, v0, v1;
	v1 =	vsel vm1, v57, v2;
	v2 =	vsel vm1, v2, v57  }
0x82: {  	vm0 =	vgt.s32 v0, v1;
	vm1 =	vgt.s32 v2, v58  }
0x83: {  	v60 =	vld [tilespmem:s14+$0xE180];
	v0 =	vsel vm0, v0, v1;
	v1 =	vsel vm1, v58, v2;
	v2 =	vsel vm1, v2, v58  }
0x84: {  	vm0 =	vgt.s32 v0, v1;
	vm1 =	vgt.s32 v2, v3  }
0x85: {  	v0 =	vsel vm0, v0, v1;
	v1 =	vsel vm1, v3, v2;
	v2 =	vsel vm1, v2, v3;
	v3 =	vld [tilespmem:s14+$0xE200]  }
0x86: {  	vm0 =	vgt.s32 v0, v1;
	vm1 =	vgt.s32 v2, v59  }
0x87: {  	v61 =	vld [tilespmem:s14+$0xE280];
	v0 =	vsel vm0, v0, v1;
	v1 =	vsel vm1, v59, v2;
	v2 =	vsel vm1, v2, v59  }
0x88: {  	vm0 =	vgt.s32 v0, v1;
	vm1 =	vgt.s32 v2, v60  }
0x89: {  	v62 =	vld [tilespmem:s14+$0xE300];
	v0 =	vsel vm0, v0, v1;
	v1 =	vsel vm1, v60, v2;
	v2 =	vsel vm1, v2, v60  }
0x8a: {  	vm0 =	vgt.s32 v0, v1;
	vm1 =	vgt.s32 v2, v3  }
0x8b: {  	v0 =	vsel vm0, v0, v1;
	v1 =	vsel vm1, v3, v2;
	v2 =	vsel vm1, v2, v3;
	v3 =	vld [tilespmem:s14+$0xE380]  }
0x8c: {  	vm0 =	vgt.s32 v0, v1;
	vm1 =	vgt.s32 v2, v61  }
0x8d: {  	v0 =	vsel vm0, v0, v1;
	v1 =	vsel vm1, v61, v2;
	v2 =	vsel vm1, v2, v61  }
0x8e: {  	vm0 =	vgt.s32 v0, v1;
	vm1 =	vgt.s32 v2, v62  }
0x8f: {  	v0 =	vsel vm0, v0, v1;
	v1 =	vsel vm1, v62, v2;
	v2 =	vsel vm1, v2, v62  }
0x90: {  	vm0 =	vgt.s32 v0, v1;
	vm1 =	vgt.s32 v2, v3  }
0x91: {  	v0 =	vsel vm0, v0, v1;
	v1 =	vsel vm1, v3, v2  }
0x92: {  	vm0 =	vgt.s32 v0, v1  }
0x93: {  	v0 =	vsel vm0, v0, v1  }
0x94: {  	vm0 =	vgt.s32 v0, $0x0  }
0x95: {  	v1 =	vsel vm1, v2, v3;
	v0 =	vnsel vm0, $0x0, v0  }
0x96: {  	v2 =	vand.u32 $0xFFFFFFC0, v1;
	v3 =	vand.u32 $0x7FFFFFC0, v0  }
0x97: {  	v63 =	vadd.f32 v3, v2;
	_ =	sdelay $0x1  }
0x98: {  	(erf) = vrcp.f32 v63;
	_ =	sdelay $0x5  }
0x99: {  	s31 =	simm.s32 $0x0  }
0x9a: {  	s14 =	sand.u32 $0xFFFFFF00, s31  }
0x9b: {  	s19 =	sor.u32 s13, s14;
	v1 =	vandn.u32 $0x3F, v1  }
0x9c: {  	[tilespmem:s19+$0x10800] =	vst v1;
	v0 =	vandn.u32 $0x3F, v0;
	v4 =	vpop (erf)  }
0x9d: {  	s16 =	simm.s32 $0x2;
	s13 =	simm.s32 $0x1;
	s14 =	simm.s32 $0x0;
	[tilespmem:s19+$0x10880] =	vst v0;
	v1 =	vmul.f32 v2, v4;
	v0 =	vmul.f32 v3, v4  }
.LBB2_2:
0x9e: {  	s18 =	sshll.u32 s13, $0x7  }
0x9f: {  	s14 =	sadd.s32 $0x10, s14;
	s17 =	smov.u32 s16;
	s15 =	sadd.s32 $0x1, s16  }
0xa0: {  	p0 =	sne.s32 s16, $0x3F;
	s16 =	sand.u32 $0x70, s14;
	s18 =	sand.u32 $0x3FFFFC00, s18;
	[tilespmem:s19+$0x10000] =	vst v1  }
0xa1: {  	s18 =	sor.u32 s16, s18;
	[tilespmem:s19+$0x10080] =	vst v0  }
0xa2: {  	v0 =	vld [tilespmem:s18+$0x0]  }
0xa3: {  	v1 =	vld [tilespmem:s18+$0x80];
	_ =	sdelay $0x1  }
0xa4: {  	v2 =	vld [tilespmem:s18+$0x100];
	_ =	sdelay $0x1  }
0xa5: {  	v3 =	vld [tilespmem:s18+$0x180]  }
0xa6: {  	vm0 =	vgt.s32 v0, v1  }
0xa7: {  	v4 =	vsel vm0, v1, v0;
	v0 =	vsel vm0, v0, v1;
	v1 =	vld [tilespmem:s18+$0x200]  }
0xa8: {  	vm0 =	vgt.s32 v0, v2  }
0xa9: {  	v5 =	vsel vm0, v2, v0;
	v0 =	vsel vm0, v0, v2;
	v2 =	vld [tilespmem:s18+$0x280]  }
0xaa: {  	vm0 =	vgt.s32 v4, v5;
	vm1 =	vgt.s32 v0, v3  }
0xab: {  	v4 =	vsel vm0, v4, v5;
	v5 =	vsel vm1, v3, v0;
	v0 =	vsel vm1, v0, v3;
	v3 =	vld [tilespmem:s18+$0x300]  }
0xac: {  	vm0 =	vgt.s32 v4, v5;
	vm1 =	vgt.s32 v0, v1  }
0xad: {  	v4 =	vsel vm0, v4, v5;
	v5 =	vsel vm1, v1, v0;
	v0 =	vsel vm1, v0, v1;
	v1 =	vld [tilespmem:s18+$0x380]  }
0xae: {  	vm0 =	vgt.s32 v4, v5;
	vm1 =	vgt.s32 v0, v2  }
0xaf: {  	v4 =	vsel vm0, v4, v5;
	v5 =	vsel vm1, v2, v0;
	v0 =	vsel vm1, v0, v2;
	v2 =	vld [tilespmem:s18+$0x2000]  }
0xb0: {  	vm0 =	vgt.s32 v4, v5;
	vm1 =	vgt.s32 v0, v3  }
0xb1: {  	v4 =	vsel vm0, v4, v5;
	v5 =	vsel vm1, v3, v0;
	v0 =	vsel vm1, v0, v3;
	v3 =	vld [tilespmem:s18+$0x2080]  }
0xb2: {  	vm0 =	vgt.s32 v4, v5;
	vm1 =	vgt.s32 v0, v1  }
0xb3: {  	v4 =	vsel vm0, v4, v5;
	v5 =	vsel vm1, v1, v0;
	v0 =	vsel vm1, v0, v1;
	v1 =	vld [tilespmem:s18+$0x2100]  }
0xb4: {  	vm0 =	vgt.s32 v4, v5;
	vm1 =	vgt.s32 v0, v2  }
0xb5: {  	v4 =	vsel vm0, v4, v5;
	v5 =	vsel vm1, v2, v0;
	v0 =	vsel vm1, v0, v2;
	v2 =	vld [tilespmem:s18+$0x2180]  }
0xb6: {  	vm0 =	vgt.s32 v4, v5;
	vm1 =	vgt.s32 v0, v3  }
0xb7: {  	v4 =	vsel vm0, v4, v5;
	v5 =	vsel vm1, v3, v0;
	v0 =	vsel vm1, v0, v3;
	v3 =	vld [tilespmem:s18+$0x2200]  }
0xb8: {  	vm0 =	vgt.s32 v4, v5;
	vm1 =	vgt.s32 v0, v1  }
0xb9: {  	v4 =	vsel vm0, v4, v5;
	v5 =	vsel vm1, v1, v0;
	v0 =	vsel vm1, v0, v1;
	v1 =	vld [tilespmem:s18+$0x2280]  }
0xba: {  	vm0 =	vgt.s32 v4, v5;
	vm1 =	vgt.s32 v0, v2  }
0xbb: {  	v4 =	vsel vm0, v4, v5;
	v5 =	vsel vm1, v2, v0;
	v0 =	vsel vm1, v0, v2;
	v2 =	vld [tilespmem:s18+$0x2300]  }
0xbc: {  	vm0 =	vgt.s32 v4, v5;
	vm1 =	vgt.s32 v0, v3  }
0xbd: {  	v4 =	vsel vm0, v4, v5;
	v5 =	vsel vm1, v3, v0;
	v0 =	vsel vm1, v0, v3;
	v3 =	vld [tilespmem:s18+$0x2380]  }
0xbe: {  	vm0 =	vgt.s32 v4, v5;
	vm1 =	vgt.s32 v0, v1  }
0xbf: {  	v4 =	vsel vm0, v4, v5;
	v5 =	vsel vm1, v1, v0;
	v0 =	vsel vm1, v0, v1;
	v1 =	vld [tilespmem:s18+$0x4000]  }
0xc0: {  	vm0 =	vgt.s32 v4, v5;
	vm1 =	vgt.s32 v0, v2  }
0xc1: {  	v4 =	vsel vm0, v4, v5;
	v5 =	vsel vm1, v2, v0;
	v0 =	vsel vm1, v0, v2;
	v2 =	vld [tilespmem:s18+$0x4080]  }
0xc2: {  	vm0 =	vgt.s32 v4, v5;
	vm1 =	vgt.s32 v0, v3  }
0xc3: {  	v4 =	vsel vm0, v4, v5;
	v5 =	vsel vm1, v3, v0;
	v0 =	vsel vm1, v0, v3;
	v3 =	vld [tilespmem:s18+$0x4100]  }
0xc4: {  	vm0 =	vgt.s32 v4, v5;
	vm1 =	vgt.s32 v0, v1  }
0xc5: {  	v4 =	vsel vm0, v4, v5;
	v5 =	vsel vm1, v1, v0;
	v0 =	vsel vm1, v0, v1;
	v1 =	vld [tilespmem:s18+$0x4180]  }
0xc6: {  	vm0 =	vgt.s32 v4, v5;
	vm1 =	vgt.s32 v0, v2  }
0xc7: {  	v4 =	vsel vm0, v4, v5;
	v5 =	vsel vm1, v2, v0;
	v0 =	vsel vm1, v0, v2;
	v2 =	vld [tilespmem:s18+$0x4200]  }
0xc8: {  	vm0 =	vgt.s32 v4, v5;
	vm1 =	vgt.s32 v0, v3  }
0xc9: {  	v4 =	vsel vm0, v4, v5;
	v5 =	vsel vm1, v3, v0;
	v0 =	vsel vm1, v0, v3;
	v3 =	vld [tilespmem:s18+$0x4280]  }
0xca: {  	vm0 =	vgt.s32 v4, v5;
	vm1 =	vgt.s32 v0, v1  }
0xcb: {  	v4 =	vsel vm0, v4, v5;
	v5 =	vsel vm1, v1, v0;
	v0 =	vsel vm1, v0, v1;
	v1 =	vld [tilespmem:s18+$0x4300]  }
0xcc: {  	vm0 =	vgt.s32 v4, v5;
	vm1 =	vgt.s32 v0, v2  }
0xcd: {  	v4 =	vsel vm0, v4, v5;
	v5 =	vsel vm1, v2, v0;
	v0 =	vsel vm1, v0, v2;
	v2 =	vld [tilespmem:s18+$0x4380]  }
0xce: {  	vm0 =	vgt.s32 v4, v5;
	vm1 =	vgt.s32 v0, v3  }
0xcf: {  	v4 =	vsel vm0, v4, v5;
	v5 =	vsel vm1, v3, v0;
	v0 =	vsel vm1, v0, v3;
	v3 =	vld [tilespmem:s18+$0x6000]  }
0xd0: {  	vm0 =	vgt.s32 v4, v5;
	vm1 =	vgt.s32 v0, v1  }
0xd1: {  	v4 =	vsel vm0, v4, v5;
	v5 =	vsel vm1, v1, v0;
	v0 =	vsel vm1, v0, v1;
	v1 =	vld [tilespmem:s18+$0x6080]  }
0xd2: {  	vm0 =	vgt.s32 v4, v5;
	vm1 =	vgt.s32 v0, v2  }
0xd3: {  	v4 =	vsel vm0, v4, v5;
	v5 =	vsel vm1, v2, v0;
	v0 =	vsel vm1, v0, v2;
	v2 =	vld [tilespmem:s18+$0x6100]  }
0xd4: {  	vm0 =	vgt.s32 v4, v5;
	vm1 =	vgt.s32 v0, v3  }
0xd5: {  	v4 =	vsel vm0, v4, v5;
	v5 =	vsel vm1, v3, v0;
	v0 =	vsel vm1, v0, v3;
	v3 =	vld [tilespmem:s18+$0x6180]  }
0xd6: {  	vm0 =	vgt.s32 v4, v5;
	vm1 =	vgt.s32 v0, v1  }
0xd7: {  	v4 =	vsel vm0, v4, v5;
	v5 =	vsel vm1, v1, v0;
	v0 =	vsel vm1, v0, v1;
	v1 =	vld [tilespmem:s18+$0x6200]  }
0xd8: {  	vm0 =	vgt.s32 v4, v5;
	vm1 =	vgt.s32 v0, v2  }
0xd9: {  	v4 =	vsel vm0, v4, v5;
	v5 =	vsel vm1, v2, v0;
	v0 =	vsel vm1, v0, v2;
	v2 =	vld [tilespmem:s18+$0x6280]  }
0xda: {  	vm0 =	vgt.s32 v4, v5;
	vm1 =	vgt.s32 v0, v3  }
0xdb: {  	v4 =	vsel vm0, v4, v5;
	v5 =	vsel vm1, v3, v0;
	v0 =	vsel vm1, v0, v3;
	v3 =	vld [tilespmem:s18+$0x6300]  }
0xdc: {  	vm0 =	vgt.s32 v4, v5;
	vm1 =	vgt.s32 v0, v1  }
0xdd: {  	v4 =	vsel vm0, v4, v5;
	v5 =	vsel vm1, v1, v0;
	v0 =	vsel vm1, v0, v1;
	v1 =	vld [tilespmem:s18+$0x6380]  }
0xde: {  	vm0 =	vgt.s32 v4, v5;
	vm1 =	vgt.s32 v0, v2  }
0xdf: {  	v4 =	vsel vm0, v4, v5;
	v5 =	vsel vm1, v2, v0;
	v0 =	vsel vm1, v0, v2;
	v2 =	vld [tilespmem:s18+$0x8000]  }
0xe0: {  	vm0 =	vgt.s32 v4, v5;
	vm1 =	vgt.s32 v0, v3  }
0xe1: {  	v4 =	vsel vm0, v4, v5;
	v5 =	vsel vm1, v3, v0;
	v0 =	vsel vm1, v0, v3;
	v3 =	vld [tilespmem:s18+$0x8080]  }
0xe2: {  	vm0 =	vgt.s32 v4, v5;
	vm1 =	vgt.s32 v0, v1  }
0xe3: {  	v4 =	vsel vm0, v4, v5;
	v5 =	vsel vm1, v1, v0;
	v0 =	vsel vm1, v0, v1;
	v1 =	vld [tilespmem:s18+$0x8100]  }
0xe4: {  	vm0 =	vgt.s32 v4, v5;
	vm1 =	vgt.s32 v0, v2  }
0xe5: {  	v4 =	vsel vm0, v4, v5;
	v5 =	vsel vm1, v2, v0;
	v0 =	vsel vm1, v0, v2;
	v2 =	vld [tilespmem:s18+$0x8180]  }
0xe6: {  	vm0 =	vgt.s32 v4, v5;
	vm1 =	vgt.s32 v0, v3  }
0xe7: {  	v4 =	vsel vm0, v4, v5;
	v5 =	vsel vm1, v3, v0;
	v0 =	vsel vm1, v0, v3;
	v3 =	vld [tilespmem:s18+$0x8200]  }
0xe8: {  	vm0 =	vgt.s32 v4, v5;
	vm1 =	vgt.s32 v0, v1  }
0xe9: {  	v4 =	vsel vm0, v4, v5;
	v5 =	vsel vm1, v1, v0;
	v0 =	vsel vm1, v0, v1;
	v1 =	vld [tilespmem:s18+$0x8280]  }
0xea: {  	vm0 =	vgt.s32 v4, v5;
	vm1 =	vgt.s32 v0, v2  }
0xeb: {  	v4 =	vsel vm0, v4, v5;
	v5 =	vsel vm1, v2, v0;
	v0 =	vsel vm1, v0, v2;
	v2 =	vld [tilespmem:s18+$0x8300]  }
0xec: {  	vm0 =	vgt.s32 v4, v5;
	vm1 =	vgt.s32 v0, v3  }
0xed: {  	v4 =	vsel vm0, v4, v5;
	v5 =	vsel vm1, v3, v0;
	v0 =	vsel vm1, v0, v3;
	v3 =	vld [tilespmem:s18+$0x8380]  }
0xee: {  	vm0 =	vgt.s32 v4, v5;
	vm1 =	vgt.s32 v0, v1  }
0xef: {  	v4 =	vsel vm0, v4, v5;
	v5 =	vsel vm1, v1, v0;
	v0 =	vsel vm1, v0, v1;
	v1 =	vld [tilespmem:s18+$0xA000]  }
0xf0: {  	vm0 =	vgt.s32 v4, v5;
	vm1 =	vgt.s32 v0, v2  }
0xf1: {  	v4 =	vsel vm0, v4, v5;
	v5 =	vsel vm1, v2, v0;
	v0 =	vsel vm1, v0, v2;
	v2 =	vld [tilespmem:s18+$0xA080]  }
0xf2: {  	vm0 =	vgt.s32 v4, v5;
	vm1 =	vgt.s32 v0, v3  }
0xf3: {  	v4 =	vsel vm0, v4, v5;
	v5 =	vsel vm1, v3, v0;
	v0 =	vsel vm1, v0, v3;
	v3 =	vld [tilespmem:s18+$0xA100]  }
0xf4: {  	vm0 =	vgt.s32 v4, v5;
	vm1 =	vgt.s32 v0, v1  }
0xf5: {  	v4 =	vsel vm0, v4, v5;
	v5 =	vsel vm1, v1, v0;
	v0 =	vsel vm1, v0, v1;
	v1 =	vld [tilespmem:s18+$0xA180]  }
0xf6: {  	vm0 =	vgt.s32 v4, v5;
	vm1 =	vgt.s32 v0, v2  }
0xf7: {  	v4 =	vsel vm0, v4, v5;
	v5 =	vsel vm1, v2, v0;
	v0 =	vsel vm1, v0, v2;
	v2 =	vld [tilespmem:s18+$0xA200]  }
0xf8: {  	vm0 =	vgt.s32 v4, v5;
	vm1 =	vgt.s32 v0, v3  }
0xf9: {  	v4 =	vsel vm0, v4, v5;
	v5 =	vsel vm1, v3, v0;
	v0 =	vsel vm1, v0, v3;
	v3 =	vld [tilespmem:s18+$0xA280]  }
0xfa: {  	vm0 =	vgt.s32 v4, v5;
	vm1 =	vgt.s32 v0, v1  }
0xfb: {  	v4 =	vsel vm0, v4, v5;
	v5 =	vsel vm1, v1, v0;
	v0 =	vsel vm1, v0, v1;
	v1 =	vld [tilespmem:s18+$0xA300]  }
0xfc: {  	vm0 =	vgt.s32 v4, v5;
	vm1 =	vgt.s32 v0, v2  }
0xfd: {  	v4 =	vsel vm0, v4, v5;
	v5 =	vsel vm1, v2, v0;
	v0 =	vsel vm1, v0, v2;
	v2 =	vld [tilespmem:s18+$0xA380]  }
0xfe: {  	vm0 =	vgt.s32 v4, v5;
	vm1 =	vgt.s32 v0, v3  }
0xff: {  	v4 =	vsel vm0, v4, v5;
	v5 =	vsel vm1, v3, v0;
	v0 =	vsel vm1, v0, v3;
	v3 =	vld [tilespmem:s18+$0xC000]  }
0x100: {  	vm0 =	vgt.s32 v4, v5;
	vm1 =	vgt.s32 v0, v1  }
0x101: {  	v4 =	vsel vm0, v4, v5;
	v5 =	vsel vm1, v1, v0;
	v0 =	vsel vm1, v0, v1;
	v1 =	vld [tilespmem:s18+$0xC080]  }
0x102: {  	vm0 =	vgt.s32 v4, v5;
	vm1 =	vgt.s32 v0, v2  }
0x103: {  	v4 =	vsel vm0, v4, v5;
	v5 =	vsel vm1, v2, v0;
	v0 =	vsel vm1, v0, v2;
	v2 =	vld [tilespmem:s18+$0xC100]  }
0x104: {  	vm0 =	vgt.s32 v4, v5;
	vm1 =	vgt.s32 v0, v3  }
0x105: {  	v4 =	vsel vm0, v4, v5;
	v5 =	vsel vm1, v3, v0;
	v0 =	vsel vm1, v0, v3;
	v3 =	vld [tilespmem:s18+$0xC180]  }
0x106: {  	vm0 =	vgt.s32 v4, v5;
	vm1 =	vgt.s32 v0, v1  }
0x107: {  	v4 =	vsel vm0, v4, v5;
	v5 =	vsel vm1, v1, v0;
	v0 =	vsel vm1, v0, v1;
	v1 =	vld [tilespmem:s18+$0xC200]  }
0x108: {  	vm0 =	vgt.s32 v4, v5;
	vm1 =	vgt.s32 v0, v2  }
0x109: {  	v4 =	vsel vm0, v4, v5;
	v5 =	vsel vm1, v2, v0;
	v0 =	vsel vm1, v0, v2;
	v2 =	vld [tilespmem:s18+$0xC280]  }
0x10a: {  	vm0 =	vgt.s32 v4, v5;
	vm1 =	vgt.s32 v0, v3  }
0x10b: {  	v4 =	vsel vm0, v4, v5;
	v5 =	vsel vm1, v3, v0;
	v0 =	vsel vm1, v0, v3;
	v3 =	vld [tilespmem:s18+$0xC300]  }
0x10c: {  	vm0 =	vgt.s32 v4, v5;
	vm1 =	vgt.s32 v0, v1  }
0x10d: {  	v4 =	vsel vm0, v4, v5;
	v5 =	vsel vm1, v1, v0;
	v0 =	vsel vm1, v0, v1;
	v1 =	vld [tilespmem:s18+$0xC380]  }
0x10e: {  	vm0 =	vgt.s32 v4, v5;
	vm1 =	vgt.s32 v0, v2  }
0x10f: {  	v4 =	vsel vm0, v4, v5;
	v5 =	vsel vm1, v2, v0;
	v0 =	vsel vm1, v0, v2;
	v2 =	vld [tilespmem:s18+$0xE000]  }
0x110: {  	vm0 =	vgt.s32 v4, v5;
	vm1 =	vgt.s32 v0, v3  }
0x111: {  	v4 =	vsel vm0, v4, v5;
	v5 =	vsel vm1, v3, v0;
	v0 =	vsel vm1, v0, v3;
	v3 =	vld [tilespmem:s18+$0xE080]  }
0x112: {  	vm0 =	vgt.s32 v4, v5;
	vm1 =	vgt.s32 v0, v1  }
0x113: {  	v4 =	vsel vm0, v4, v5;
	v5 =	vsel vm1, v1, v0;
	v0 =	vsel vm1, v0, v1;
	v1 =	vld [tilespmem:s18+$0xE100]  }
0x114: {  	vm0 =	vgt.s32 v4, v5;
	vm1 =	vgt.s32 v0, v2  }
0x115: {  	v4 =	vsel vm0, v4, v5;
	v5 =	vsel vm1, v2, v0;
	v0 =	vsel vm1, v0, v2;
	v2 =	vld [tilespmem:s18+$0xE180]  }
0x116: {  	vm0 =	vgt.s32 v4, v5;
	vm1 =	vgt.s32 v0, v3  }
0x117: {  	v4 =	vsel vm0, v4, v5;
	v5 =	vsel vm1, v3, v0;
	v0 =	vsel vm1, v0, v3;
	v3 =	vld [tilespmem:s18+$0xE200]  }
0x118: {  	vm0 =	vgt.s32 v4, v5;
	vm1 =	vgt.s32 v0, v1  }
0x119: {  	v4 =	vsel vm0, v4, v5;
	v5 =	vsel vm1, v1, v0;
	v0 =	vsel vm1, v0, v1;
	v1 =	vld [tilespmem:s18+$0xE280]  }
0x11a: {  	vm0 =	vgt.s32 v4, v5;
	vm1 =	vgt.s32 v0, v2  }
0x11b: {  	v4 =	vsel vm0, v4, v5;
	v5 =	vsel vm1, v2, v0;
	v0 =	vsel vm1, v0, v2;
	v2 =	vld [tilespmem:s18+$0xE300]  }
0x11c: {  	vm0 =	vgt.s32 v4, v5;
	vm1 =	vgt.s32 v0, v3  }
0x11d: {  	v4 =	vsel vm0, v4, v5;
	v5 =	vsel vm1, v3, v0;
	v0 =	vsel vm1, v0, v3;
	v3 =	vld [tilespmem:s18+$0xE380]  }
0x11e: {  	vm0 =	vgt.s32 v4, v5;
	vm1 =	vgt.s32 v0, v1  }
0x11f: {  	v4 =	vsel vm0, v4, v5;
	v5 =	vsel vm1, v1, v0;
	v0 =	vsel vm1, v0, v1  }
0x120: {  	vm0 =	vgt.s32 v4, v5;
	vm1 =	vgt.s32 v0, v2  }
0x121: {  	v1 =	vsel vm0, v4, v5;
	v4 =	vsel vm1, v2, v0;
	v0 =	vsel vm1, v0, v2  }
0x122: {  	s18 =	sshll.u32 s13, $0x5;
	s13 =	smov.u32 s17;
	vm0 =	vgt.s32 v1, v4;
	vm1 =	vgt.s32 v0, v3  }
0x123: {  	s17 =	sand.u32 $0xFFFFFF00, s18;
	v1 =	vsel vm0, v1, v4;
	v2 =	vsel vm1, v3, v0;
	v0 =	vsel vm1, v0, v3  }
0x124: {  	s19 =	sor.u32 s16, s17;
	vm0 =	vgt.s32 v1, v2;
	v3 =	vandn.u32 $0x3F, v0  }
0x125: {  	v1 =	vsel vm0, v1, v2;
	[tilespmem:s19+$0x10800] =	vst v3  }
0x126: {  	vm0 =	vgt.s32 v1, $0x0  }
0x127: {  	v0 =	vand.u32 $0xFFFFFFC0, v0;
	v1 =	vnsel vm0, $0x0, v1  }
0x128: {  	v2 =	vandn.u32 $0x3F, v1;
	v3 =	vand.u32 $0x7FFFFFC0, v1  }
0x129: {  	v1 =	vadd.f32 v3, v0;
	[tilespmem:s19+$0x10880] =	vst v2;
	_ =	sdelay $0x1  }
0x12a: {  	(erf) = vrcp.f32 v1;
	_ =	sdelay $0x5  }
.Ltmp0:
0x12b: {  	(pc) =	sbr.rel @p0 .LBB2_2-.Ltmp0, $3  }
0x12c: {  	_ =	sdelay $0x1  }
0x12d: {  	v2 =	vpop (erf)  }
0x12e: {  	s16 =	smov.u32 s15;
	v1 =	vmul.f32 v0, v2;
	v0 =	vmul.f32 v3, v2  }
0x12f: {  	s15 =	sshll.u32 s13, $0x7;
	s14 =	sadd.s32 $0x10, s14  }
0x130: {  	s14 =	sand.u32 $0x70, s14;
	s15 =	sand.u32 $0x3FFFFC00, s15;
	[tilespmem:s19+$0x10000] =	vst v1  }
0x131: {  	[tilespmem:s19+$0x10080] =	vst v0;
	s15 =	sor.u32 s14, s15  }
0x132: {  	v0 =	vld [tilespmem:s15+$0x0]  }
0x133: {  	v1 =	vld [tilespmem:s15+$0x80];
	_ =	sdelay $0x1  }
0x134: {  	v2 =	vld [tilespmem:s15+$0x100];
	_ =	sdelay $0x1  }
0x135: {  	v3 =	vld [tilespmem:s15+$0x180]  }
0x136: {  	vm0 =	vgt.s32 v0, v1  }
0x137: {  	v5 =	vld [tilespmem:s15+$0x200];
	v4 =	vsel vm0, v0, v1  }
0x138: {  	vm1 =	vgt.s32 v4, v2  }
0x139: {  	v51 =	vld [tilespmem:s15+$0x280];
	v0 =	vsel vm0, v1, v0;
	v50 =	vsel vm1, v2, v4;
	v2 =	vsel vm1, v4, v2  }
0x13a: {  	vm0 =	vgt.s32 v0, v50;
	vm1 =	vgt.s32 v2, v3  }
0x13b: {  	v53 =	vld [tilespmem:s15+$0x300];
	v0 =	vsel vm0, v0, v50;
	v52 =	vsel vm1, v3, v2;
	v2 =	vsel vm1, v2, v3  }
0x13c: {  	vm0 =	vgt.s32 v0, v52;
	vm1 =	vgt.s32 v2, v5  }
0x13d: {  	v55 =	vld [tilespmem:s15+$0x380];
	v0 =	vsel vm0, v0, v52;
	v54 =	vsel vm1, v5, v2;
	v2 =	vsel vm1, v2, v5  }
0x13e: {  	vm0 =	vgt.s32 v0, v54;
	vm1 =	vgt.s32 v2, v51  }
0x13f: {  	v57 =	vld [tilespmem:s15+$0x2000];
	v0 =	vsel vm0, v0, v54;
	v56 =	vsel vm1, v51, v2;
	v2 =	vsel vm1, v2, v51  }
0x140: {  	vm0 =	vgt.s32 v0, v56;
	vm1 =	vgt.s32 v2, v53  }
0x141: {  	v59 =	vld [tilespmem:s15+$0x2080];
	v0 =	vsel vm0, v0, v56;
	v58 =	vsel vm1, v53, v2;
	v2 =	vsel vm1, v2, v53  }
0x142: {  	vm0 =	vgt.s32 v0, v58;
	vm1 =	vgt.s32 v2, v55  }
0x143: {  	v61 =	vld [tilespmem:s15+$0x2100];
	v0 =	vsel vm0, v0, v58;
	v60 =	vsel vm1, v55, v2;
	v2 =	vsel vm1, v2, v55  }
0x144: {  	vm0 =	vgt.s32 v0, v60;
	vm1 =	vgt.s32 v2, v57  }
0x145: {  	v63 =	vld [tilespmem:s15+$0x2180];
	v0 =	vsel vm0, v0, v60;
	v62 =	vsel vm1, v57, v2;
	v2 =	vsel vm1, v2, v57  }
0x146: {  	vm0 =	vgt.s32 v0, v62;
	vm1 =	vgt.s32 v2, v59  }
0x147: {  	v9 =	vld [tilespmem:s15+$0x2200];
	v0 =	vsel vm0, v0, v62;
	v8 =	vsel vm1, v59, v2;
	v2 =	vsel vm1, v2, v59  }
0x148: {  	vm0 =	vgt.s32 v0, v8;
	vm1 =	vgt.s32 v2, v61  }
0x149: {  	v11 =	vld [tilespmem:s15+$0x2280];
	v0 =	vsel vm0, v0, v8;
	v10 =	vsel vm1, v61, v2;
	v2 =	vsel vm1, v2, v61  }
0x14a: {  	vm0 =	vgt.s32 v0, v10;
	vm1 =	vgt.s32 v2, v63  }
0x14b: {  	v13 =	vld [tilespmem:s15+$0x2300];
	v0 =	vsel vm0, v0, v10;
	v12 =	vsel vm1, v63, v2;
	v2 =	vsel vm1, v2, v63  }
0x14c: {  	vm0 =	vgt.s32 v0, v12;
	vm1 =	vgt.s32 v2, v9  }
0x14d: {  	v15 =	vld [tilespmem:s15+$0x2380];
	v0 =	vsel vm0, v0, v12;
	v14 =	vsel vm1, v9, v2;
	v2 =	vsel vm1, v2, v9  }
0x14e: {  	vm0 =	vgt.s32 v0, v14;
	vm1 =	vgt.s32 v2, v11  }
0x14f: {  	v17 =	vld [tilespmem:s15+$0x4000];
	v0 =	vsel vm0, v0, v14;
	v16 =	vsel vm1, v11, v2;
	v2 =	vsel vm1, v2, v11  }
0x150: {  	vm0 =	vgt.s32 v0, v16;
	vm1 =	vgt.s32 v2, v13  }
0x151: {  	v19 =	vld [tilespmem:s15+$0x4080];
	v0 =	vsel vm0, v0, v16;
	v18 =	vsel vm1, v13, v2;
	v2 =	vsel vm1, v2, v13  }
0x152: {  	vm0 =	vgt.s32 v0, v18;
	vm1 =	vgt.s32 v2, v15  }
0x153: {  	v21 =	vld [tilespmem:s15+$0x4100];
	v0 =	vsel vm0, v0, v18;
	v20 =	vsel vm1, v15, v2;
	v2 =	vsel vm1, v2, v15  }
0x154: {  	vm0 =	vgt.s32 v0, v20;
	vm1 =	vgt.s32 v2, v17  }
0x155: {  	v23 =	vld [tilespmem:s15+$0x4180];
	v0 =	vsel vm0, v0, v20;
	v22 =	vsel vm1, v17, v2;
	v2 =	vsel vm1, v2, v17  }
0x156: {  	vm0 =	vgt.s32 v0, v22;
	vm1 =	vgt.s32 v2, v19  }
0x157: {  	v25 =	vld [tilespmem:s15+$0x4200];
	v0 =	vsel vm0, v0, v22;
	v24 =	vsel vm1, v19, v2;
	v2 =	vsel vm1, v2, v19  }
0x158: {  	vm0 =	vgt.s32 v0, v24;
	vm1 =	vgt.s32 v2, v21  }
0x159: {  	v27 =	vld [tilespmem:s15+$0x4280];
	v0 =	vsel vm0, v0, v24;
	v26 =	vsel vm1, v21, v2;
	v2 =	vsel vm1, v2, v21  }
0x15a: {  	vm0 =	vgt.s32 v0, v26;
	vm1 =	vgt.s32 v2, v23  }
0x15b: {  	v29 =	vld [tilespmem:s15+$0x4300];
	v0 =	vsel vm0, v0, v26;
	v28 =	vsel vm1, v23, v2;
	v2 =	vsel vm1, v2, v23  }
0x15c: {  	vm0 =	vgt.s32 v0, v28;
	vm1 =	vgt.s32 v2, v25  }
0x15d: {  	v31 =	vld [tilespmem:s15+$0x4380];
	v0 =	vsel vm0, v0, v28;
	v30 =	vsel vm1, v25, v2;
	v2 =	vsel vm1, v2, v25  }
0x15e: {  	vm0 =	vgt.s32 v0, v30;
	vm1 =	vgt.s32 v2, v27  }
0x15f: {  	v33 =	vld [tilespmem:s15+$0x6000];
	v0 =	vsel vm0, v0, v30;
	v32 =	vsel vm1, v27, v2;
	v2 =	vsel vm1, v2, v27  }
0x160: {  	vm0 =	vgt.s32 v0, v32;
	vm1 =	vgt.s32 v2, v29  }
0x161: {  	v35 =	vld [tilespmem:s15+$0x6080];
	v0 =	vsel vm0, v0, v32;
	v34 =	vsel vm1, v29, v2;
	v2 =	vsel vm1, v2, v29  }
0x162: {  	vm0 =	vgt.s32 v0, v34;
	vm1 =	vgt.s32 v2, v31  }
0x163: {  	v37 =	vld [tilespmem:s15+$0x6100];
	v0 =	vsel vm0, v0, v34;
	v36 =	vsel vm1, v31, v2;
	v2 =	vsel vm1, v2, v31  }
0x164: {  	vm0 =	vgt.s32 v0, v36;
	vm1 =	vgt.s32 v2, v33  }
0x165: {  	v39 =	vld [tilespmem:s15+$0x6180];
	v0 =	vsel vm0, v0, v36;
	v38 =	vsel vm1, v33, v2;
	v2 =	vsel vm1, v2, v33  }
0x166: {  	vm0 =	vgt.s32 v0, v38;
	vm1 =	vgt.s32 v2, v35  }
0x167: {  	v41 =	vld [tilespmem:s15+$0x6200];
	v0 =	vsel vm0, v0, v38;
	v40 =	vsel vm1, v35, v2;
	v2 =	vsel vm1, v2, v35  }
0x168: {  	vm0 =	vgt.s32 v0, v40;
	vm1 =	vgt.s32 v2, v37  }
0x169: {  	v43 =	vld [tilespmem:s15+$0x6280];
	v0 =	vsel vm0, v0, v40;
	v42 =	vsel vm1, v37, v2;
	v2 =	vsel vm1, v2, v37  }
0x16a: {  	vm0 =	vgt.s32 v0, v42;
	vm1 =	vgt.s32 v2, v39  }
0x16b: {  	v45 =	vld [tilespmem:s15+$0x6300];
	v0 =	vsel vm0, v0, v42;
	v44 =	vsel vm1, v39, v2;
	v2 =	vsel vm1, v2, v39  }
0x16c: {  	vm0 =	vgt.s32 v0, v44;
	vm1 =	vgt.s32 v2, v41  }
0x16d: {  	v47 =	vld [tilespmem:s15+$0x6380];
	v0 =	vsel vm0, v0, v44;
	v46 =	vsel vm1, v41, v2;
	v2 =	vsel vm1, v2, v41  }
0x16e: {  	vm0 =	vgt.s32 v0, v46;
	vm1 =	vgt.s32 v2, v43  }
0x16f: {  	v49 =	vld [tilespmem:s15+$0x8000];
	v0 =	vsel vm0, v0, v46;
	v48 =	vsel vm1, v43, v2;
	v2 =	vsel vm1, v2, v43  }
0x170: {  	vm0 =	vgt.s32 v0, v48;
	vm1 =	vgt.s32 v2, v45  }
0x171: {  	v51 =	vld [tilespmem:s15+$0x8080];
	v0 =	vsel vm0, v0, v48;
	v50 =	vsel vm1, v45, v2;
	v2 =	vsel vm1, v2, v45  }
0x172: {  	vm0 =	vgt.s32 v0, v50;
	vm1 =	vgt.s32 v2, v47  }
0x173: {  	v53 =	vld [tilespmem:s15+$0x8100];
	v0 =	vsel vm0, v0, v50;
	v52 =	vsel vm1, v47, v2;
	v2 =	vsel vm1, v2, v47  }
0x174: {  	vm0 =	vgt.s32 v0, v52;
	vm1 =	vgt.s32 v2, v49  }
0x175: {  	v55 =	vld [tilespmem:s15+$0x8180];
	v0 =	vsel vm0, v0, v52;
	v54 =	vsel vm1, v49, v2;
	v2 =	vsel vm1, v2, v49  }
0x176: {  	vm0 =	vgt.s32 v0, v54;
	vm1 =	vgt.s32 v2, v51  }
0x177: {  	v57 =	vld [tilespmem:s15+$0x8200];
	v0 =	vsel vm0, v0, v54;
	v56 =	vsel vm1, v51, v2;
	v2 =	vsel vm1, v2, v51  }
0x178: {  	vm0 =	vgt.s32 v0, v56;
	vm1 =	vgt.s32 v2, v53  }
0x179: {  	v59 =	vld [tilespmem:s15+$0x8280];
	v0 =	vsel vm0, v0, v56;
	v58 =	vsel vm1, v53, v2;
	v2 =	vsel vm1, v2, v53  }
0x17a: {  	vm0 =	vgt.s32 v0, v58;
	vm1 =	vgt.s32 v2, v55  }
0x17b: {  	v61 =	vld [tilespmem:s15+$0x8300];
	v0 =	vsel vm0, v0, v58;
	v60 =	vsel vm1, v55, v2;
	v2 =	vsel vm1, v2, v55  }
0x17c: {  	vm0 =	vgt.s32 v0, v60;
	vm1 =	vgt.s32 v2, v57  }
0x17d: {  	v63 =	vld [tilespmem:s15+$0x8380];
	v0 =	vsel vm0, v0, v60;
	v62 =	vsel vm1, v57, v2;
	v2 =	vsel vm1, v2, v57  }
0x17e: {  	vm0 =	vgt.s32 v0, v62;
	vm1 =	vgt.s32 v2, v59  }
0x17f: {  	v9 =	vld [tilespmem:s15+$0xA000];
	v0 =	vsel vm0, v0, v62;
	v8 =	vsel vm1, v59, v2;
	v2 =	vsel vm1, v2, v59  }
0x180: {  	vm0 =	vgt.s32 v0, v8;
	vm1 =	vgt.s32 v2, v61  }
0x181: {  	v11 =	vld [tilespmem:s15+$0xA080];
	v0 =	vsel vm0, v0, v8;
	v10 =	vsel vm1, v61, v2;
	v2 =	vsel vm1, v2, v61  }
0x182: {  	vm0 =	vgt.s32 v0, v10;
	vm1 =	vgt.s32 v2, v63  }
0x183: {  	v13 =	vld [tilespmem:s15+$0xA100];
	v0 =	vsel vm0, v0, v10;
	v12 =	vsel vm1, v63, v2;
	v2 =	vsel vm1, v2, v63  }
0x184: {  	vm0 =	vgt.s32 v0, v12;
	vm1 =	vgt.s32 v2, v9  }
0x185: {  	v15 =	vld [tilespmem:s15+$0xA180];
	v0 =	vsel vm0, v0, v12;
	v14 =	vsel vm1, v9, v2;
	v2 =	vsel vm1, v2, v9  }
0x186: {  	vm0 =	vgt.s32 v0, v14;
	vm1 =	vgt.s32 v2, v11  }
0x187: {  	v17 =	vld [tilespmem:s15+$0xA200];
	v0 =	vsel vm0, v0, v14;
	v16 =	vsel vm1, v11, v2;
	v2 =	vsel vm1, v2, v11  }
0x188: {  	vm0 =	vgt.s32 v0, v16;
	vm1 =	vgt.s32 v2, v13  }
0x189: {  	v19 =	vld [tilespmem:s15+$0xA280];
	v0 =	vsel vm0, v0, v16;
	v18 =	vsel vm1, v13, v2;
	v2 =	vsel vm1, v2, v13  }
0x18a: {  	vm0 =	vgt.s32 v0, v18;
	vm1 =	vgt.s32 v2, v15  }
0x18b: {  	v21 =	vld [tilespmem:s15+$0xA300];
	v0 =	vsel vm0, v0, v18;
	v20 =	vsel vm1, v15, v2;
	v2 =	vsel vm1, v2, v15  }
0x18c: {  	vm0 =	vgt.s32 v0, v20;
	vm1 =	vgt.s32 v2, v17  }
0x18d: {  	v23 =	vld [tilespmem:s15+$0xA380];
	v0 =	vsel vm0, v0, v20;
	v22 =	vsel vm1, v17, v2;
	v2 =	vsel vm1, v2, v17  }
0x18e: {  	vm0 =	vgt.s32 v0, v22;
	vm1 =	vgt.s32 v2, v19  }
0x18f: {  	v25 =	vld [tilespmem:s15+$0xC000];
	v0 =	vsel vm0, v0, v22;
	v24 =	vsel vm1, v19, v2;
	v2 =	vsel vm1, v2, v19  }
0x190: {  	vm0 =	vgt.s32 v0, v24;
	vm1 =	vgt.s32 v2, v21  }
0x191: {  	v27 =	vld [tilespmem:s15+$0xC080];
	v0 =	vsel vm0, v0, v24;
	v26 =	vsel vm1, v21, v2;
	v2 =	vsel vm1, v2, v21  }
0x192: {  	vm0 =	vgt.s32 v0, v26;
	vm1 =	vgt.s32 v2, v23  }
0x193: {  	v29 =	vld [tilespmem:s15+$0xC100];
	v0 =	vsel vm0, v0, v26;
	v28 =	vsel vm1, v23, v2;
	v2 =	vsel vm1, v2, v23  }
0x194: {  	vm0 =	vgt.s32 v0, v28;
	vm1 =	vgt.s32 v2, v25  }
0x195: {  	v31 =	vld [tilespmem:s15+$0xC180];
	v0 =	vsel vm0, v0, v28;
	v30 =	vsel vm1, v25, v2;
	v2 =	vsel vm1, v2, v25  }
0x196: {  	vm0 =	vgt.s32 v0, v30;
	vm1 =	vgt.s32 v2, v27  }
0x197: {  	v33 =	vld [tilespmem:s15+$0xC200];
	v0 =	vsel vm0, v0, v30;
	v32 =	vsel vm1, v27, v2;
	v2 =	vsel vm1, v2, v27  }
0x198: {  	vm0 =	vgt.s32 v0, v32;
	vm1 =	vgt.s32 v2, v29  }
0x199: {  	v35 =	vld [tilespmem:s15+$0xC280];
	v0 =	vsel vm0, v0, v32;
	v34 =	vsel vm1, v29, v2;
	v2 =	vsel vm1, v2, v29  }
0x19a: {  	vm0 =	vgt.s32 v0, v34;
	vm1 =	vgt.s32 v2, v31  }
0x19b: {  	v37 =	vld [tilespmem:s15+$0xC300];
	v0 =	vsel vm0, v0, v34;
	v36 =	vsel vm1, v31, v2;
	v2 =	vsel vm1, v2, v31  }
0x19c: {  	vm0 =	vgt.s32 v0, v36;
	vm1 =	vgt.s32 v2, v33  }
0x19d: {  	v39 =	vld [tilespmem:s15+$0xC380];
	v0 =	vsel vm0, v0, v36;
	v38 =	vsel vm1, v33, v2;
	v2 =	vsel vm1, v2, v33  }
0x19e: {  	vm0 =	vgt.s32 v0, v38;
	vm1 =	vgt.s32 v2, v35  }
0x19f: {  	v41 =	vld [tilespmem:s15+$0xE000];
	v0 =	vsel vm0, v0, v38;
	v40 =	vsel vm1, v35, v2;
	v2 =	vsel vm1, v2, v35  }
0x1a0: {  	vm0 =	vgt.s32 v0, v40;
	vm1 =	vgt.s32 v2, v37  }
0x1a1: {  	v43 =	vld [tilespmem:s15+$0xE080];
	v0 =	vsel vm0, v0, v40;
	v42 =	vsel vm1, v37, v2;
	v2 =	vsel vm1, v2, v37  }
0x1a2: {  	vm0 =	vgt.s32 v0, v42;
	vm1 =	vgt.s32 v2, v39  }
0x1a3: {  	v45 =	vld [tilespmem:s15+$0xE100];
	v0 =	vsel vm0, v0, v42;
	v44 =	vsel vm1, v39, v2;
	v2 =	vsel vm1, v2, v39  }
0x1a4: {  	vm0 =	vgt.s32 v0, v44;
	vm1 =	vgt.s32 v2, v41  }
0x1a5: {  	v47 =	vld [tilespmem:s15+$0xE180];
	v0 =	vsel vm0, v0, v44;
	v46 =	vsel vm1, v41, v2;
	v2 =	vsel vm1, v2, v41  }
0x1a6: {  	vm0 =	vgt.s32 v0, v46;
	vm1 =	vgt.s32 v2, v43  }
0x1a7: {  	v49 =	vld [tilespmem:s15+$0xE200];
	v0 =	vsel vm0, v0, v46;
	v48 =	vsel vm1, v43, v2;
	v2 =	vsel vm1, v2, v43  }
0x1a8: {  	vm0 =	vgt.s32 v0, v48;
	vm1 =	vgt.s32 v2, v45  }
0x1a9: {  	v51 =	vld [tilespmem:s15+$0xE280];
	v0 =	vsel vm0, v0, v48;
	v50 =	vsel vm1, v45, v2;
	v2 =	vsel vm1, v2, v45  }
0x1aa: {  	vm0 =	vgt.s32 v0, v50;
	vm1 =	vgt.s32 v2, v47  }
0x1ab: {  	v53 =	vld [tilespmem:s15+$0xE300];
	v0 =	vsel vm0, v0, v50;
	v52 =	vsel vm1, v47, v2;
	v2 =	vsel vm1, v2, v47  }
0x1ac: {  	vm0 =	vgt.s32 v0, v52;
	vm1 =	vgt.s32 v2, v49  }
0x1ad: {  	v55 =	vld [tilespmem:s15+$0xE380];
	v0 =	vsel vm0, v0, v52;
	v54 =	vsel vm1, v49, v2;
	v2 =	vsel vm1, v2, v49  }
0x1ae: {  	vm0 =	vgt.s32 v0, v54;
	vm1 =	vgt.s32 v2, v51  }
0x1af: {  	v0 =	vsel vm0, v0, v54;
	v56 =	vsel vm1, v51, v2;
	v2 =	vsel vm1, v2, v51  }
0x1b0: {  	vm0 =	vgt.s32 v0, v56;
	vm1 =	vgt.s32 v2, v53  }
0x1b1: {  	v0 =	vsel vm0, v0, v56;
	v57 =	vsel vm1, v53, v2;
	v2 =	vsel vm1, v2, v53  }
0x1b2: {  	vm0 =	vgt.s32 v0, v57;
	vm1 =	vgt.s32 v2, v55  }
0x1b3: {  	v0 =	vsel vm0, v0, v57;
	v58 =	vsel vm1, v55, v2  }
0x1b4: {  	vm0 =	vgt.s32 v0, v58  }
0x1b5: {  	v0 =	vsel vm0, v0, v58  }
0x1b6: {  	vm0 =	vgt.s32 v0, $0x0  }
0x1b7: {  	v59 =	vsel vm1, v2, v55;
	v0 =	vnsel vm0, $0x0, v0  }
0x1b8: {  	v2 =	vand.u32 $0xFFFFFFC0, v59;
	v60 =	vand.u32 $0x7FFFFFC0, v0  }
0x1b9: {  	v61 =	vadd.f32 v60, v2;
	_ =	sdelay $0x1  }
0x1ba: {  	(erf) = vrcp.f32 v61;
	_ =	sdelay $0x6  }
0x1bb: {  	s31 =	sshll.u32 s13, $0x5  }
0x1bc: {  	s13 =	sand.u32 $0xFFFFFF00, s31  }
0x1bd: {  	s13 =	sor.u32 s14, s13;
	v1 =	vandn.u32 $0x3F, v59;
	v4 =	vpop (erf)  }
0x1be: {  	[tilespmem:s13+$0x10800] =	vst v1;
	v0 =	vandn.u32 $0x3F, v0;
	v62 =	vmul.f32 v2, v4  }
0x1bf: {  	[tilespmem:s13+$0x10880] =	vst v0;
	v63 =	vmul.f32 v60, v4  }
0x1c0: {  	[tilespmem:s13+$0x10000] =	vst v62  }
0x1c1: {  	[tilespmem:s13+$0x10080] =	vst v63  }
0x1c2: {  	[hbm4b:s4+s2] =	stream.linear.scatter [tilespmem:s10], [sflag:$0x1], $0x800, $0x38;
	[tilespmem:$0x11000] =	vst v63  }
0x1c3: {  	s12 =	sadd.s32 $0x1, s12;
	_ =	swait.ge [sflag:s9], $0x800  }
0x1c4: {  	p0 =	sne.s32 s12, s6;
	[sflag:s9] =	ssyncset.done $0x0  }
.Ltmp1:
0x1c5: {  	[sflag:s9] =	ssyncadd.s32 $0xFFFFF800;
	(pc) =	sbr.rel @p0 .LBB2_1-.Ltmp1, $4  }
0x1c6: {  	[hbm4b:s5+s2] =	stream.linear.scatter [tilespmem:s11], [sflag:$0x1], $0x800, $0x38;
	[tilespmem:$0x11000] =	vst v63  }
0x1c7: {  	_ =	swait.ge [sflag:s9], $0x800  }
0x1c8: {  	[sflag:s9] =	ssyncset.done $0x0  }
0x1c9: {  	[sflag:s9] =	ssyncadd.s32 $0xFFFFF800  }
0x1ca: {  	_ =	sfence.sel $0x180000  }
0x1cb: {  	[bflag:$0x0] =	sbarrier.arrive $0xFFFF  }
0x1cc: {  	p0 =	sne.s32 s1, $0x0;
	_ =	strace $0x90000047  }
0x1cd: {  	s0 =	sadd.s32 @!p0 $0x100000, s0;
	[bflag:$0x2] =	sbarrier.arrive $0xFFFF  }
0x1ce: {  	[sflag:s0] =	ssyncadd.tile.s32 @!p0 $0x1;
	_ =	shalt  }
.Lfunc_end2:
_tile_overlayer_lowered:
.L_overlay_start_2:
0x1cf: {  	(tag) =	ssettag $0x2  }
0x1d0: {  	s0 =	rddreg [dreg:$0x0];
	s2 =	stileid.u32  }
0x1d1: {  	s1 =	rddreg [dreg:$0x1];
	p0 =	sne.s32 s2, $0x0  }
0x1d2: {  	s3 =	rddreg [dreg:$0x2];
	[bflag:$0x3] =	sbarrier.arrive $0xFFFF;
	s2 =	simm.s32 @!p0 $0x1C01  }
0x1d3: {  	[timem:s3], [sflag:s2] =	dma.local @!p0 [hbm:s0], s1  }
0x1d4: {  	s0 =	simm.s32 @!p0 $0x1  }
0x1d5: {  	_ =	swait.ge @!p0 [sflag:s0], s1  }
0x1d6: {  	s1 =	ssub.s32 @!p0 $0x0, s1;
	[sflag:s0] =	ssyncset.done @!p0 $0x0  }
0x1d7: {  	[sflag:s0] =	ssyncadd.s32 @!p0 s1  }
0x1d8: {  	[bflag:$0x3] =	sbarrier.arrive $0xFFFF  }
0x1d9: {  	_ =	shalt  }

</sc_bundles>
